<compile_context>
chip_gen: v7x
topology: tpu7x:2x2x1
jax: 0.10.2.dev20260603
libtpu: 0.0.44.dev20260713+nightly
codegen_flags: <defaults>
</compile_context>

<pallas_src>
import functools

import jax
import jax.numpy as jnp
from jax import lax
from jax.experimental import pallas as pl
from jax.experimental.pallas import tpu as pltpu
from jax.experimental.pallas import tpu_sc as plsc

_NC = 2
_NS = 16
_NW = _NC * _NS
_SUB = 128
_K = 12
_G = 6
_MEGA = 40


def _sc_gather(idx2d, W):
    n_chunks, sub = idx2d.shape
    D = W.shape[1]
    B = n_chunks * sub
    nsub = n_chunks // _NW
    nblk = nsub // _MEGA

    mesh = plsc.VectorSubcoreMesh(core_axis_name="c", subcore_axis_name="s")

    @functools.partial(
        pl.kernel,
        out_type=jax.ShapeDtypeStruct((B, D), jnp.float32),
        mesh=mesh,
        scratch_types=[
            pltpu.VMEM((2, _MEGA, _SUB), jnp.int32),
            pltpu.VMEM((_K, _SUB, D), jnp.float32),
            pltpu.SemaphoreType.DMA,
            pltpu.SemaphoreType.DMA,
            pltpu.SemaphoreType.DMA,
        ],
        compiler_params=pltpu.CompilerParams(use_tc_tiling_on_sc=False),
    )
    def k(idx_hbm, w_hbm, out_hbm, idx_v, rows_v, isem, gsem, ssem):
        wid = lax.axis_index("s") * _NC + lax.axis_index("c")
        base_sub = wid * nsub

        def wait_idx():
            pltpu.make_async_copy(
                idx_hbm.at[pl.ds(base_sub, _MEGA)], idx_v.at[0], isem
            ).wait()

        def wait_gather():
            pltpu.make_async_copy(
                w_hbm.at[idx_v.at[0, 0]], rows_v.at[0], gsem
            ).wait()

        def wait_store():
            pltpu.make_async_copy(
                rows_v.at[0], out_hbm.at[pl.ds(0, _SUB)], ssem
            ).wait()

        def fire_store(j, slot):
            pltpu.async_copy(
                rows_v.at[slot],
                out_hbm.at[pl.ds((base_sub + j) * _SUB, _SUB)],
                ssem,
            )

        pltpu.async_copy(idx_hbm.at[pl.ds(base_sub, _MEGA)], idx_v.at[0], isem)

        def body(i, carry):
            s = i % _K
            blk = i // _MEGA
            q = blk % 2
            r = i % _MEGA

            @pl.when(r == 0)
            def _():
                wait_idx()

            @pl.when(jnp.logical_and(r == _G, blk + 1 < nblk))
            def _():
                pltpu.async_copy(
                    idx_hbm.at[pl.ds(base_sub + (blk + 1) * _MEGA, _MEGA)],
                    idx_v.at[1 - q],
                    isem,
                )

            @pl.when(i >= _K)
            def _():
                wait_store()

            pltpu.async_copy(w_hbm.at[idx_v.at[q, r]], rows_v.at[s], gsem)

            @pl.when(i >= _G)
            def _():
                wait_gather()
                fire_store(i - _G, (i - _G) % _K)

            return carry

        lax.fori_loop(0, nsub, body, 0)

        for t in range(_G):
            j = nsub - _G + t
            wait_gather()
            fire_store(j, j % _K)
        for _t in range(_K):
            wait_store()

    return k(idx2d, W)


def kernel(global_frame_idx, W):
    S, T = global_frame_idx.shape
    D = W.shape[1]
    B = S * T
    idx2d = global_frame_idx.astype(jnp.int32).reshape(B // _SUB, _SUB)
    out = _sc_gather(idx2d, W)
    return out.reshape(S, T, D)

# --- scband reference (transcript-rebuilt; emitter-appended) ---
"""Pipeline reference for scband-implicit-emotion-db-58609123721972 (READ-ONLY COPY).

The authoritative reference and input builder live on the scoring server;
editing this copy changes nothing except your own understanding.
"""

import jax, jax.numpy as jnp
import numpy as np


def setup_inputs(seed: int = 0) -> dict:
    key = jax.random.key(seed)
    k1, k2 = jax.random.split(key)
    global_frame_idx = jax.random.randint(k1, (16384, 200), 0, 1000000)
    W = jax.random.normal(k2, (1000000, 64), dtype=jnp.float32) * 1.0
    return {"global_frame_idx": global_frame_idx, "W": W}


def reference(global_frame_idx, W):
    # Faithful translation of: self.W[global_frame_idx, :]
    return jnp.take(W, global_frame_idx, axis=0)

if __name__ == "__main__":
    import jax
    _d = setup_inputs()
    print(jax.jit(kernel)(*tuple(_d.values())))

</pallas_src>

<mosaic_0001>
#map = affine_map<(d0, d1) -> (0, 0)>
module attributes {stable_mosaic.version = 14 : i64} {
  func.func @k(%arg0: i32, %arg1: i32, %arg2: memref<25600x128xi32, #tpu.memory_space<hbm>>, %arg3: memref<1000000x64xf32, #tpu.memory_space<hbm>>, %arg4: memref<3276800x64xf32, #tpu.memory_space<hbm>>, %arg5: memref<2x40x128xi32, #tpu.memory_space<vmem>>, %arg6: memref<12x128x64xf32, #tpu.memory_space<vmem>>, %arg7: memref<!tpu.dma_semaphore, #tpu.memory_space<semaphore_mem>>, %arg8: memref<!tpu.dma_semaphore, #tpu.memory_space<semaphore_mem>>, %arg9: memref<!tpu.dma_semaphore, #tpu.memory_space<semaphore_mem>>) attributes {dimension_semantics = [#tpu.dimension_semantics<core_parallel>, #tpu.dimension_semantics<subcore_parallel>], iteration_bounds = array<i64: 2, 16>, scalar_prefetch = 0 : i64, scratch_operands = 5 : i64, tpu.core_type = #tpu.core_type<sc_vector_subcore>, window_params = [{transform_indices = #map}, {transform_indices = #map}, {transform_indices = #map}]} {
    %mul3A = arith.constant 2 : i32
    %mul3A_0 = arith.muli %arg1, %mul3A : i32
    %add3A = arith.addi %mul3A_0, %arg0 : i32
    %mul3A_1 = arith.constant 800 : i32
    %mul3A_2 = arith.muli %add3A, %mul3A_1 : i32
    %dma_start3A = arith.constant 0 : i32
    %dma_start3A_3 = arith.constant 0 : i32
    %dma_start3A_4 = arith.constant 0 : i32
    %dma_start3A_5 = tpu.memref_slice %arg5[%dma_start3A, %dma_start3A_3, %dma_start3A_4] : memref<2x40x128xi32, #tpu.memory_space<vmem>> -> memref<1x40x128xi32, #tpu.memory_space<vmem>>
    %dma_start3A_6 = tpu.memref_squeeze %dma_start3A_5 : memref<1x40x128xi32, #tpu.memory_space<vmem>> -> memref<40x128xi32, #tpu.memory_space<vmem>>
    %dma_start3A_7 = arith.constant 0 : i32
    %dma_start3A_8 = tpu.memref_slice %arg2[%mul3A_2, %dma_start3A_7] : memref<25600x128xi32, #tpu.memory_space<hbm>> -> memref<40x128xi32, #tpu.memory_space<hbm>>
    %dma_start3A_9 = arith.constant 0 : i32
    %dma_start3A_10 = arith.constant 0 : i32
    %dma_start3A_11 = tpu.memref_slice %arg5[%dma_start3A, %dma_start3A_9, %dma_start3A_10] : memref<2x40x128xi32, #tpu.memory_space<vmem>> -> memref<1x40x128xi32, #tpu.memory_space<vmem>>
    %dma_start3A_12 = tpu.memref_squeeze %dma_start3A_11 : memref<1x40x128xi32, #tpu.memory_space<vmem>> -> memref<40x128xi32, #tpu.memory_space<vmem>>
    %dma_start3A_13 = arith.constant 0 : i32
    %dma_start3A_14 = tpu.memref_slice %arg2[%mul3A_2, %dma_start3A_13] : memref<25600x128xi32, #tpu.memory_space<hbm>> -> memref<40x128xi32, #tpu.memory_space<hbm>>
    tpu.enqueue_dma source(%dma_start3A_14 : memref<40x128xi32, #tpu.memory_space<hbm>>) target(%dma_start3A_12 : memref<40x128xi32, #tpu.memory_space<vmem>>) target_semaphore(%arg7 : memref<!tpu.dma_semaphore, #tpu.memory_space<semaphore_mem>>)
    %scan3A = arith.constant 0 : i32
    %scan3A_15 = arith.constant 0 : i32
    %scan3A_16 = arith.constant 800 : i32
    %scan3A_17 = arith.addi %scan3A_15, %scan3A_16 : i32
    %scan3A_18 = arith.constant 1 : i32
    scf.for %scan3A_379 = %scan3A_15 to %scan3A_17 step %scan3A_18  : i32 {
      %jit3A = arith.constant 12 : i32
      %eq3A = arith.constant 0 : i32
      %eq3A_380 = arith.cmpi eq, %jit3A, %eq3A : i32
      %jit3A_381 = arith.constant 1 : i32
      %select_n3A = arith.select %eq3A_380, %jit3A_381, %jit3A : i32
      %rem3A = arith.remsi %scan3A_379, %select_n3A : i32
      %ne3A = arith.constant 0 : i32
      %ne3A_382 = arith.cmpi ne, %rem3A, %ne3A : i32
      %lt3A = arith.constant 0 : i32
      %lt3A_383 = arith.cmpi slt, %rem3A, %lt3A : i32
      %lt3A_384 = arith.constant 0 : i32
      %lt3A_385 = arith.cmpi slt, %select_n3A, %lt3A_384 : i32
      %ne3A_386 = arith.xori %lt3A_383, %lt3A_385 : i1
      %and3A = arith.andi %ne3A_386, %ne3A_382 : i1
      %add3A_387 = arith.addi %rem3A, %select_n3A : i32
      %select_n3A_388 = arith.select %and3A, %add3A_387, %rem3A : i32
      %jit3A_389 = arith.constant 40 : i32
      %div3A = arith.divsi %scan3A_379, %jit3A_389 : i32
      %sign3A = arith.constant 0 : i32
      %sign3A_390 = arith.cmpi sgt, %scan3A_379, %sign3A : i32
      %sign3A_391 = arith.extui %sign3A_390 : i1 to i32
      %sign3A_392 = arith.constant 0 : i32
      %sign3A_393 = arith.cmpi slt, %scan3A_379, %sign3A_392 : i32
      %sign3A_394 = arith.extui %sign3A_393 : i1 to i32
      %sign3A_395 = arith.subi %sign3A_391, %sign3A_394 : i32
      %sign3A_396 = arith.constant 0 : i32
      %sign3A_397 = arith.cmpi sgt, %jit3A_389, %sign3A_396 : i32
      %sign3A_398 = arith.extui %sign3A_397 : i1 to i32
      %sign3A_399 = arith.constant 0 : i32
      %sign3A_400 = arith.cmpi slt, %jit3A_389, %sign3A_399 : i32
      %sign3A_401 = arith.extui %sign3A_400 : i1 to i32
      %sign3A_402 = arith.subi %sign3A_398, %sign3A_401 : i32
      %ne3A_403 = arith.cmpi ne, %sign3A_395, %sign3A_402 : i32
      %rem3A_404 = arith.remsi %scan3A_379, %jit3A_389 : i32
      %ne3A_405 = arith.constant 0 : i32
      %ne3A_406 = arith.cmpi ne, %rem3A_404, %ne3A_405 : i32
      %and3A_407 = arith.andi %ne3A_403, %ne3A_406 : i1
      %sub3A = arith.constant 1 : i32
      %sub3A_408 = arith.subi %div3A, %sub3A : i32
      %select_n3A_409 = arith.select %and3A_407, %sub3A_408, %div3A : i32
      %jit3A_410 = arith.constant 2 : i32
      %eq3A_411 = arith.constant 0 : i32
      %eq3A_412 = arith.cmpi eq, %jit3A_410, %eq3A_411 : i32
      %jit3A_413 = arith.constant 1 : i32
      %select_n3A_414 = arith.select %eq3A_412, %jit3A_413, %jit3A_410 : i32
      %rem3A_415 = arith.remsi %select_n3A_409, %select_n3A_414 : i32
      %ne3A_416 = arith.constant 0 : i32
      %ne3A_417 = arith.cmpi ne, %rem3A_415, %ne3A_416 : i32
      %lt3A_418 = arith.constant 0 : i32
      %lt3A_419 = arith.cmpi slt, %rem3A_415, %lt3A_418 : i32
      %lt3A_420 = arith.constant 0 : i32
      %lt3A_421 = arith.cmpi slt, %select_n3A_414, %lt3A_420 : i32
      %ne3A_422 = arith.xori %lt3A_419, %lt3A_421 : i1
      %and3A_423 = arith.andi %ne3A_422, %ne3A_417 : i1
      %add3A_424 = arith.addi %rem3A_415, %select_n3A_414 : i32
      %select_n3A_425 = arith.select %and3A_423, %add3A_424, %rem3A_415 : i32
      %jit3A_426 = arith.constant 40 : i32
      %eq3A_427 = arith.constant 0 : i32
      %eq3A_428 = arith.cmpi eq, %jit3A_426, %eq3A_427 : i32
      %jit3A_429 = arith.constant 1 : i32
      %select_n3A_430 = arith.select %eq3A_428, %jit3A_429, %jit3A_426 : i32
      %rem3A_431 = arith.remsi %scan3A_379, %select_n3A_430 : i32
      %ne3A_432 = arith.constant 0 : i32
      %ne3A_433 = arith.cmpi ne, %rem3A_431, %ne3A_432 : i32
      %lt3A_434 = arith.constant 0 : i32
      %lt3A_435 = arith.cmpi slt, %rem3A_431, %lt3A_434 : i32
      %lt3A_436 = arith.constant 0 : i32
      %lt3A_437 = arith.cmpi slt, %select_n3A_430, %lt3A_436 : i32
      %ne3A_438 = arith.xori %lt3A_435, %lt3A_437 : i1
      %and3A_439 = arith.andi %ne3A_438, %ne3A_433 : i1
      %add3A_440 = arith.addi %rem3A_431, %select_n3A_430 : i32
      %select_n3A_441 = arith.select %and3A_439, %add3A_440, %rem3A_431 : i32
      %eq3A_442 = arith.constant 0 : i32
      %eq3A_443 = arith.cmpi eq, %select_n3A_441, %eq3A_442 : i32
      %convert_element_type3A = arith.extui %eq3A_443 : i1 to i32
      %cond3A = arith.constant 0 : i32
      %cond3A_444 = arith.cmpi ne, %convert_element_type3A, %cond3A : i32
      scf.if %cond3A_444 {
        %dma_wait3A_474 = arith.constant 0 : i32
        %dma_wait3A_475 = arith.constant 0 : i32
        %dma_wait3A_476 = arith.constant 0 : i32
        %dma_wait3A_477 = tpu.memref_slice %arg5[%dma_wait3A_474, %dma_wait3A_475, %dma_wait3A_476] : memref<2x40x128xi32, #tpu.memory_space<vmem>> -> memref<1x40x128xi32, #tpu.memory_space<vmem>>
        %dma_wait3A_478 = tpu.memref_squeeze %dma_wait3A_477 : memref<1x40x128xi32, #tpu.memory_space<vmem>> -> memref<40x128xi32, #tpu.memory_space<vmem>>
        %dma_wait3A_479 = arith.constant 0 : i32
        %dma_wait3A_480 = tpu.memref_slice %arg2[%mul3A_2, %dma_wait3A_479] : memref<25600x128xi32, #tpu.memory_space<hbm>> -> memref<40x128xi32, #tpu.memory_space<hbm>>
        %dma_wait3A_481 = arith.constant 0 : i32
        %dma_wait3A_482 = arith.constant 0 : i32
        %dma_wait3A_483 = tpu.memref_slice %arg5[%dma_wait3A_474, %dma_wait3A_481, %dma_wait3A_482] : memref<2x40x128xi32, #tpu.memory_space<vmem>> -> memref<1x40x128xi32, #tpu.memory_space<vmem>>
        %dma_wait3A_484 = tpu.memref_squeeze %dma_wait3A_483 : memref<1x40x128xi32, #tpu.memory_space<vmem>> -> memref<40x128xi32, #tpu.memory_space<vmem>>
        %dma_wait3A_485 = arith.constant 0 : i32
        %dma_wait3A_486 = tpu.memref_slice %arg2[%mul3A_2, %dma_wait3A_485] : memref<25600x128xi32, #tpu.memory_space<hbm>> -> memref<40x128xi32, #tpu.memory_space<hbm>>
        tpu.wait_dma2 semaphore(%arg7 : memref<!tpu.dma_semaphore, #tpu.memory_space<semaphore_mem>>) src(%dma_wait3A_486 : memref<40x128xi32, #tpu.memory_space<hbm>>) dst(%dma_wait3A_484 : memref<40x128xi32, #tpu.memory_space<vmem>>)
      } else {
      }
      %eq3A_445 = arith.constant 6 : i32
      %eq3A_446 = arith.cmpi eq, %select_n3A_441, %eq3A_445 : i32
      %add3A_447 = arith.constant 1 : i32
      %add3A_448 = arith.addi %select_n3A_409, %add3A_447 : i32
      %lt3A_449 = arith.constant 20 : i32
      %lt3A_450 = arith.cmpi slt, %add3A_448, %lt3A_449 : i32
      %and3A_451 = arith.andi %eq3A_446, %lt3A_450 : i1
      %convert_element_type3A_452 = arith.extui %and3A_451 : i1 to i32
      %cond3A_453 = arith.constant 0 : i32
      %cond3A_454 = arith.cmpi ne, %convert_element_type3A_452, %cond3A_453 : i32
      scf.if %cond3A_454 {
        %add3A_474 = arith.constant 1 : i32
        %add3A_475 = arith.addi %select_n3A_409, %add3A_474 : i32
        %mul3A_476 = arith.constant 40 : i32
        %mul3A_477 = arith.muli %add3A_475, %mul3A_476 : i32
        %add3A_478 = arith.addi %mul3A_2, %mul3A_477 : i32
        %sub3A_479 = arith.constant 1 : i32
        %sub3A_480 = arith.subi %sub3A_479, %select_n3A_425 : i32
        %dma_start3A_481 = arith.constant 0 : i32
        %dma_start3A_482 = arith.constant 0 : i32
        %dma_start3A_483 = tpu.memref_slice %arg5[%sub3A_480, %dma_start3A_481, %dma_start3A_482] : memref<2x40x128xi32, #tpu.memory_space<vmem>> -> memref<1x40x128xi32, #tpu.memory_space<vmem>>
        %dma_start3A_484 = tpu.memref_squeeze %dma_start3A_483 : memref<1x40x128xi32, #tpu.memory_space<vmem>> -> memref<40x128xi32, #tpu.memory_space<vmem>>
        %dma_start3A_485 = arith.constant 0 : i32
        %dma_start3A_486 = tpu.memref_slice %arg2[%add3A_478, %dma_start3A_485] : memref<25600x128xi32, #tpu.memory_space<hbm>> -> memref<40x128xi32, #tpu.memory_space<hbm>>
        %dma_start3A_487 = arith.constant 0 : i32
        %dma_start3A_488 = arith.constant 0 : i32
        %dma_start3A_489 = tpu.memref_slice %arg5[%sub3A_480, %dma_start3A_487, %dma_start3A_488] : memref<2x40x128xi32, #tpu.memory_space<vmem>> -> memref<1x40x128xi32, #tpu.memory_space<vmem>>
        %dma_start3A_490 = tpu.memref_squeeze %dma_start3A_489 : memref<1x40x128xi32, #tpu.memory_space<vmem>> -> memref<40x128xi32, #tpu.memory_space<vmem>>
        %dma_start3A_491 = arith.constant 0 : i32
        %dma_start3A_492 = tpu.memref_slice %arg2[%add3A_478, %dma_start3A_491] : memref<25600x128xi32, #tpu.memory_space<hbm>> -> memref<40x128xi32, #tpu.memory_space<hbm>>
        tpu.enqueue_dma source(%dma_start3A_492 : memref<40x128xi32, #tpu.memory_space<hbm>>) target(%dma_start3A_490 : memref<40x128xi32, #tpu.memory_space<vmem>>) target_semaphore(%arg7 : memref<!tpu.dma_semaphore, #tpu.memory_space<semaphore_mem>>)
      } else {
      }
      %ge3A = arith.constant 12 : i32
      %ge3A_455 = arith.cmpi sge, %scan3A_379, %ge3A : i32
      %convert_element_type3A_456 = arith.extui %ge3A_455 : i1 to i32
      %cond3A_457 = arith.constant 0 : i32
      %cond3A_458 = arith.cmpi ne, %convert_element_type3A_456, %cond3A_457 : i32
      scf.if %cond3A_458 {
        %dma_wait3A_474 = arith.constant 0 : i32
        %dma_wait3A_475 = arith.constant 0 : i32
        %dma_wait3A_476 = arith.constant 0 : i32
        %dma_wait3A_477 = tpu.memref_slice %arg6[%dma_wait3A_474, %dma_wait3A_475, %dma_wait3A_476] : memref<12x128x64xf32, #tpu.memory_space<vmem>> -> memref<1x128x64xf32, #tpu.memory_space<vmem>>
        %dma_wait3A_478 = tpu.memref_squeeze %dma_wait3A_477 : memref<1x128x64xf32, #tpu.memory_space<vmem>> -> memref<128x64xf32, #tpu.memory_space<vmem>>
        %dma_wait3A_479 = arith.constant 0 : i32
        %dma_wait3A_480 = arith.constant 0 : i32
        %dma_wait3A_481 = tpu.memref_slice %arg4[%dma_wait3A_479, %dma_wait3A_480] : memref<3276800x64xf32, #tpu.memory_space<hbm>> -> memref<128x64xf32, #tpu.memory_space<hbm>>
        %dma_wait3A_482 = arith.constant 0 : i32
        %dma_wait3A_483 = arith.constant 0 : i32
        %dma_wait3A_484 = tpu.memref_slice %arg4[%dma_wait3A_482, %dma_wait3A_483] : memref<3276800x64xf32, #tpu.memory_space<hbm>> -> memref<128x64xf32, #tpu.memory_space<hbm>>
        %dma_wait3A_485 = arith.constant 0 : i32
        %dma_wait3A_486 = arith.constant 0 : i32
        %dma_wait3A_487 = tpu.memref_slice %arg6[%dma_wait3A_474, %dma_wait3A_485, %dma_wait3A_486] : memref<12x128x64xf32, #tpu.memory_space<vmem>> -> memref<1x128x64xf32, #tpu.memory_space<vmem>>
        %dma_wait3A_488 = tpu.memref_squeeze %dma_wait3A_487 : memref<1x128x64xf32, #tpu.memory_space<vmem>> -> memref<128x64xf32, #tpu.memory_space<vmem>>
        tpu.wait_dma2 semaphore(%arg9 : memref<!tpu.dma_semaphore, #tpu.memory_space<semaphore_mem>>) src(%dma_wait3A_488 : memref<128x64xf32, #tpu.memory_space<vmem>>) dst(%dma_wait3A_484 : memref<128x64xf32, #tpu.memory_space<hbm>>)
      } else {
      }
      %dma_start3A_459 = arith.constant 0 : i32
      %dma_start3A_460 = arith.constant 0 : i32
      %dma_start3A_461 = tpu.memref_slice %arg6[%select_n3A_388, %dma_start3A_459, %dma_start3A_460] : memref<12x128x64xf32, #tpu.memory_space<vmem>> -> memref<1x128x64xf32, #tpu.memory_space<vmem>>
      %dma_start3A_462 = tpu.memref_squeeze %dma_start3A_461 : memref<1x128x64xf32, #tpu.memory_space<vmem>> -> memref<128x64xf32, #tpu.memory_space<vmem>>
      %dma_start3A_463 = arith.constant 0 : i32
      %dma_start3A_464 = tpu.memref_slice %arg5[%select_n3A_425, %select_n3A_441, %dma_start3A_463] : memref<2x40x128xi32, #tpu.memory_space<vmem>> -> memref<1x1x128xi32, #tpu.memory_space<vmem>>
      %dma_start3A_465 = tpu.memref_squeeze %dma_start3A_464 : memref<1x1x128xi32, #tpu.memory_space<vmem>> -> memref<128xi32, #tpu.memory_space<vmem>>
      %dma_start3A_466 = arith.constant 0 : i32
      %dma_start3A_467 = arith.constant 0 : i32
      %dma_start3A_468 = tpu.memref_slice %arg3[%dma_start3A_466, %dma_start3A_467] : memref<1000000x64xf32, #tpu.memory_space<hbm>> -> memref<1000000x64xf32, #tpu.memory_space<hbm>>
      tpu.enqueue_indirect_dma source(%dma_start3A_468 : memref<1000000x64xf32, #tpu.memory_space<hbm>>) target(%dma_start3A_462 : memref<128x64xf32, #tpu.memory_space<vmem>>) offsets(%dma_start3A_465 : memref<128xi32, #tpu.memory_space<vmem>>) semaphore(%arg8 : memref<!tpu.dma_semaphore, #tpu.memory_space<semaphore_mem>>)
      %ge3A_469 = arith.constant 6 : i32
      %ge3A_470 = arith.cmpi sge, %scan3A_379, %ge3A_469 : i32
      %convert_element_type3A_471 = arith.extui %ge3A_470 : i1 to i32
      %cond3A_472 = arith.constant 0 : i32
      %cond3A_473 = arith.cmpi ne, %convert_element_type3A_471, %cond3A_472 : i32
      scf.if %cond3A_473 {
        %dma_wait3A_474 = arith.constant 0 : i32
        %dma_wait3A_475 = arith.constant 0 : i32
        %dma_wait3A_476 = arith.constant 0 : i32
        %dma_wait3A_477 = arith.constant 0 : i32
        %dma_wait3A_478 = arith.constant 0 : i32
        %dma_wait3A_479 = tpu.memref_slice %arg6[%dma_wait3A_476, %dma_wait3A_477, %dma_wait3A_478] : memref<12x128x64xf32, #tpu.memory_space<vmem>> -> memref<1x128x64xf32, #tpu.memory_space<vmem>>
        %dma_wait3A_480 = tpu.memref_squeeze %dma_wait3A_479 : memref<1x128x64xf32, #tpu.memory_space<vmem>> -> memref<128x64xf32, #tpu.memory_space<vmem>>
        %dma_wait3A_481 = arith.constant 0 : i32
        %dma_wait3A_482 = tpu.memref_slice %arg5[%dma_wait3A_474, %dma_wait3A_475, %dma_wait3A_481] : memref<2x40x128xi32, #tpu.memory_space<vmem>> -> memref<1x1x128xi32, #tpu.memory_space<vmem>>
        %dma_wait3A_483 = tpu.memref_squeeze %dma_wait3A_482 : memref<1x1x128xi32, #tpu.memory_space<vmem>> -> memref<128xi32, #tpu.memory_space<vmem>>
        %dma_wait3A_484 = arith.constant 0 : i32
        %dma_wait3A_485 = arith.constant 0 : i32
        %dma_wait3A_486 = tpu.memref_slice %arg3[%dma_wait3A_484, %dma_wait3A_485] : memref<1000000x64xf32, #tpu.memory_space<hbm>> -> memref<1000000x64xf32, #tpu.memory_space<hbm>>
        tpu.wait_indirect_dma semaphore(%arg8 : memref<!tpu.dma_semaphore, #tpu.memory_space<semaphore_mem>>) src(%dma_wait3A_486 : memref<1000000x64xf32, #tpu.memory_space<hbm>>) dst(%dma_wait3A_480 : memref<128x64xf32, #tpu.memory_space<vmem>>)
        %sub3A_487 = arith.constant 6 : i32
        %sub3A_488 = arith.subi %scan3A_379, %sub3A_487 : i32
        %sub3A_489 = arith.constant 6 : i32
        %sub3A_490 = arith.subi %scan3A_379, %sub3A_489 : i32
        %jit3A_491 = arith.constant 12 : i32
        %eq3A_492 = arith.constant 0 : i32
        %eq3A_493 = arith.cmpi eq, %jit3A_491, %eq3A_492 : i32
        %jit3A_494 = arith.constant 1 : i32
        %select_n3A_495 = arith.select %eq3A_493, %jit3A_494, %jit3A_491 : i32
        %rem3A_496 = arith.remsi %sub3A_490, %select_n3A_495 : i32
        %ne3A_497 = arith.constant 0 : i32
        %ne3A_498 = arith.cmpi ne, %rem3A_496, %ne3A_497 : i32
        %lt3A_499 = arith.constant 0 : i32
        %lt3A_500 = arith.cmpi slt, %rem3A_496, %lt3A_499 : i32
        %lt3A_501 = arith.constant 0 : i32
        %lt3A_502 = arith.cmpi slt, %select_n3A_495, %lt3A_501 : i32
        %ne3A_503 = arith.xori %lt3A_500, %lt3A_502 : i1
        %and3A_504 = arith.andi %ne3A_503, %ne3A_498 : i1
        %add3A_505 = arith.addi %rem3A_496, %select_n3A_495 : i32
        %select_n3A_506 = arith.select %and3A_504, %add3A_505, %rem3A_496 : i32
        %add3A_507 = arith.addi %mul3A_2, %sub3A_488 : i32
        %mul3A_508 = arith.constant 128 : i32
        %mul3A_509 = arith.muli %add3A_507, %mul3A_508 : i32
        %dma_start3A_510 = arith.constant 0 : i32
        %dma_start3A_511 = arith.constant 0 : i32
        %dma_start3A_512 = tpu.memref_slice %arg6[%select_n3A_506, %dma_start3A_510, %dma_start3A_511] : memref<12x128x64xf32, #tpu.memory_space<vmem>> -> memref<1x128x64xf32, #tpu.memory_space<vmem>>
        %dma_start3A_513 = tpu.memref_squeeze %dma_start3A_512 : memref<1x128x64xf32, #tpu.memory_space<vmem>> -> memref<128x64xf32, #tpu.memory_space<vmem>>
        %dma_start3A_514 = arith.constant 0 : i32
        %dma_start3A_515 = tpu.memref_slice %arg4[%mul3A_509, %dma_start3A_514] : memref<3276800x64xf32, #tpu.memory_space<hbm>> -> memref<128x64xf32, #tpu.memory_space<hbm>>
        %dma_start3A_516 = arith.constant 0 : i32
        %dma_start3A_517 = tpu.memref_slice %arg4[%mul3A_509, %dma_start3A_516] : memref<3276800x64xf32, #tpu.memory_space<hbm>> -> memref<128x64xf32, #tpu.memory_space<hbm>>
        %dma_start3A_518 = arith.constant 0 : i32
        %dma_start3A_519 = arith.constant 0 : i32
        %dma_start3A_520 = tpu.memref_slice %arg6[%select_n3A_506, %dma_start3A_518, %dma_start3A_519] : memref<12x128x64xf32, #tpu.memory_space<vmem>> -> memref<1x128x64xf32, #tpu.memory_space<vmem>>
        %dma_start3A_521 = tpu.memref_squeeze %dma_start3A_520 : memref<1x128x64xf32, #tpu.memory_space<vmem>> -> memref<128x64xf32, #tpu.memory_space<vmem>>
        tpu.enqueue_dma source(%dma_start3A_521 : memref<128x64xf32, #tpu.memory_space<vmem>>) target(%dma_start3A_517 : memref<128x64xf32, #tpu.memory_space<hbm>>) target_semaphore(%arg9 : memref<!tpu.dma_semaphore, #tpu.memory_space<semaphore_mem>>)
      } else {
      }
    }
    %scan3A_19 = arith.constant 800 : i32
    %dma_wait3A = arith.constant 0 : i32
    %dma_wait3A_20 = arith.constant 0 : i32
    %dma_wait3A_21 = arith.constant 0 : i32
    %dma_wait3A_22 = arith.constant 0 : i32
    %dma_wait3A_23 = arith.constant 0 : i32
    %dma_wait3A_24 = tpu.memref_slice %arg6[%dma_wait3A_21, %dma_wait3A_22, %dma_wait3A_23] : memref<12x128x64xf32, #tpu.memory_space<vmem>> -> memref<1x128x64xf32, #tpu.memory_space<vmem>>
    %dma_wait3A_25 = tpu.memref_squeeze %dma_wait3A_24 : memref<1x128x64xf32, #tpu.memory_space<vmem>> -> memref<128x64xf32, #tpu.memory_space<vmem>>
    %dma_wait3A_26 = arith.constant 0 : i32
    %dma_wait3A_27 = tpu.memref_slice %arg5[%dma_wait3A, %dma_wait3A_20, %dma_wait3A_26] : memref<2x40x128xi32, #tpu.memory_space<vmem>> -> memref<1x1x128xi32, #tpu.memory_space<vmem>>
    %dma_wait3A_28 = tpu.memref_squeeze %dma_wait3A_27 : memref<1x1x128xi32, #tpu.memory_space<vmem>> -> memref<128xi32, #tpu.memory_space<vmem>>
    %dma_wait3A_29 = arith.constant 0 : i32
    %dma_wait3A_30 = arith.constant 0 : i32
    %dma_wait3A_31 = tpu.memref_slice %arg3[%dma_wait3A_29, %dma_wait3A_30] : memref<1000000x64xf32, #tpu.memory_space<hbm>> -> memref<1000000x64xf32, #tpu.memory_space<hbm>>
    tpu.wait_indirect_dma semaphore(%arg8 : memref<!tpu.dma_semaphore, #tpu.memory_space<semaphore_mem>>) src(%dma_wait3A_31 : memref<1000000x64xf32, #tpu.memory_space<hbm>>) dst(%dma_wait3A_25 : memref<128x64xf32, #tpu.memory_space<vmem>>)
    %add3A_32 = arith.constant 794 : i32
    %add3A_33 = arith.addi %mul3A_2, %add3A_32 : i32
    %mul3A_34 = arith.constant 128 : i32
    %mul3A_35 = arith.muli %add3A_33, %mul3A_34 : i32
    %dma_start3A_36 = arith.constant 2 : i32
    %dma_start3A_37 = arith.constant 0 : i32
    %dma_start3A_38 = arith.constant 0 : i32
    %dma_start3A_39 = tpu.memref_slice %arg6[%dma_start3A_36, %dma_start3A_37, %dma_start3A_38] : memref<12x128x64xf32, #tpu.memory_space<vmem>> -> memref<1x128x64xf32, #tpu.memory_space<vmem>>
    %dma_start3A_40 = tpu.memref_squeeze %dma_start3A_39 : memref<1x128x64xf32, #tpu.memory_space<vmem>> -> memref<128x64xf32, #tpu.memory_space<vmem>>
    %dma_start3A_41 = arith.constant 0 : i32
    %dma_start3A_42 = tpu.memref_slice %arg4[%mul3A_35, %dma_start3A_41] : memref<3276800x64xf32, #tpu.memory_space<hbm>> -> memref<128x64xf32, #tpu.memory_space<hbm>>
    %dma_start3A_43 = arith.constant 0 : i32
    %dma_start3A_44 = tpu.memref_slice %arg4[%mul3A_35, %dma_start3A_43] : memref<3276800x64xf32, #tpu.memory_space<hbm>> -> memref<128x64xf32, #tpu.memory_space<hbm>>
    %dma_start3A_45 = arith.constant 0 : i32
    %dma_start3A_46 = arith.constant 0 : i32
    %dma_start3A_47 = tpu.memref_slice %arg6[%dma_start3A_36, %dma_start3A_45, %dma_start3A_46] : memref<12x128x64xf32, #tpu.memory_space<vmem>> -> memref<1x128x64xf32, #tpu.memory_space<vmem>>
    %dma_start3A_48 = tpu.memref_squeeze %dma_start3A_47 : memref<1x128x64xf32, #tpu.memory_space<vmem>> -> memref<128x64xf32, #tpu.memory_space<vmem>>
    tpu.enqueue_dma source(%dma_start3A_48 : memref<128x64xf32, #tpu.memory_space<vmem>>) target(%dma_start3A_44 : memref<128x64xf32, #tpu.memory_space<hbm>>) target_semaphore(%arg9 : memref<!tpu.dma_semaphore, #tpu.memory_space<semaphore_mem>>)
    %dma_wait3A_49 = arith.constant 0 : i32
    %dma_wait3A_50 = arith.constant 0 : i32
    %dma_wait3A_51 = arith.constant 0 : i32
    %dma_wait3A_52 = arith.constant 0 : i32
    %dma_wait3A_53 = arith.constant 0 : i32
    %dma_wait3A_54 = tpu.memref_slice %arg6[%dma_wait3A_51, %dma_wait3A_52, %dma_wait3A_53] : memref<12x128x64xf32, #tpu.memory_space<vmem>> -> memref<1x128x64xf32, #tpu.memory_space<vmem>>
    %dma_wait3A_55 = tpu.memref_squeeze %dma_wait3A_54 : memref<1x128x64xf32, #tpu.memory_space<vmem>> -> memref<128x64xf32, #tpu.memory_space<vmem>>
    %dma_wait3A_56 = arith.constant 0 : i32
    %dma_wait3A_57 = tpu.memref_slice %arg5[%dma_wait3A_49, %dma_wait3A_50, %dma_wait3A_56] : memref<2x40x128xi32, #tpu.memory_space<vmem>> -> memref<1x1x128xi32, #tpu.memory_space<vmem>>
    %dma_wait3A_58 = tpu.memref_squeeze %dma_wait3A_57 : memref<1x1x128xi32, #tpu.memory_space<vmem>> -> memref<128xi32, #tpu.memory_space<vmem>>
    %dma_wait3A_59 = arith.constant 0 : i32
    %dma_wait3A_60 = arith.constant 0 : i32
    %dma_wait3A_61 = tpu.memref_slice %arg3[%dma_wait3A_59, %dma_wait3A_60] : memref<1000000x64xf32, #tpu.memory_space<hbm>> -> memref<1000000x64xf32, #tpu.memory_space<hbm>>
    tpu.wait_indirect_dma semaphore(%arg8 : memref<!tpu.dma_semaphore, #tpu.memory_space<semaphore_mem>>) src(%dma_wait3A_61 : memref<1000000x64xf32, #tpu.memory_space<hbm>>) dst(%dma_wait3A_55 : memref<128x64xf32, #tpu.memory_space<vmem>>)
    %add3A_62 = arith.constant 795 : i32
    %add3A_63 = arith.addi %mul3A_2, %add3A_62 : i32
    %mul3A_64 = arith.constant 128 : i32
    %mul3A_65 = arith.muli %add3A_63, %mul3A_64 : i32
    %dma_start3A_66 = arith.constant 3 : i32
    %dma_start3A_67 = arith.constant 0 : i32
    %dma_start3A_68 = arith.constant 0 : i32
    %dma_start3A_69 = tpu.memref_slice %arg6[%dma_start3A_66, %dma_start3A_67, %dma_start3A_68] : memref<12x128x64xf32, #tpu.memory_space<vmem>> -> memref<1x128x64xf32, #tpu.memory_space<vmem>>
    %dma_start3A_70 = tpu.memref_squeeze %dma_start3A_69 : memref<1x128x64xf32, #tpu.memory_space<vmem>> -> memref<128x64xf32, #tpu.memory_space<vmem>>
    %dma_start3A_71 = arith.constant 0 : i32
    %dma_start3A_72 = tpu.memref_slice %arg4[%mul3A_65, %dma_start3A_71] : memref<3276800x64xf32, #tpu.memory_space<hbm>> -> memref<128x64xf32, #tpu.memory_space<hbm>>
    %dma_start3A_73 = arith.constant 0 : i32
    %dma_start3A_74 = tpu.memref_slice %arg4[%mul3A_65, %dma_start3A_73] : memref<3276800x64xf32, #tpu.memory_space<hbm>> -> memref<128x64xf32, #tpu.memory_space<hbm>>
    %dma_start3A_75 = arith.constant 0 : i32
    %dma_start3A_76 = arith.constant 0 : i32
    %dma_start3A_77 = tpu.memref_slice %arg6[%dma_start3A_66, %dma_start3A_75, %dma_start3A_76] : memref<12x128x64xf32, #tpu.memory_space<vmem>> -> memref<1x128x64xf32, #tpu.memory_space<vmem>>
    %dma_start3A_78 = tpu.memref_squeeze %dma_start3A_77 : memref<1x128x64xf32, #tpu.memory_space<vmem>> -> memref<128x64xf32, #tpu.memory_space<vmem>>
    tpu.enqueue_dma source(%dma_start3A_78 : memref<128x64xf32, #tpu.memory_space<vmem>>) target(%dma_start3A_74 : memref<128x64xf32, #tpu.memory_space<hbm>>) target_semaphore(%arg9 : memref<!tpu.dma_semaphore, #tpu.memory_space<semaphore_mem>>)
    %dma_wait3A_79 = arith.constant 0 : i32
    %dma_wait3A_80 = arith.constant 0 : i32
    %dma_wait3A_81 = arith.constant 0 : i32
    %dma_wait3A_82 = arith.constant 0 : i32
    %dma_wait3A_83 = arith.constant 0 : i32
    %dma_wait3A_84 = tpu.memref_slice %arg6[%dma_wait3A_81, %dma_wait3A_82, %dma_wait3A_83] : memref<12x128x64xf32, #tpu.memory_space<vmem>> -> memref<1x128x64xf32, #tpu.memory_space<vmem>>
    %dma_wait3A_85 = tpu.memref_squeeze %dma_wait3A_84 : memref<1x128x64xf32, #tpu.memory_space<vmem>> -> memref<128x64xf32, #tpu.memory_space<vmem>>
    %dma_wait3A_86 = arith.constant 0 : i32
    %dma_wait3A_87 = tpu.memref_slice %arg5[%dma_wait3A_79, %dma_wait3A_80, %dma_wait3A_86] : memref<2x40x128xi32, #tpu.memory_space<vmem>> -> memref<1x1x128xi32, #tpu.memory_space<vmem>>
    %dma_wait3A_88 = tpu.memref_squeeze %dma_wait3A_87 : memref<1x1x128xi32, #tpu.memory_space<vmem>> -> memref<128xi32, #tpu.memory_space<vmem>>
    %dma_wait3A_89 = arith.constant 0 : i32
    %dma_wait3A_90 = arith.constant 0 : i32
    %dma_wait3A_91 = tpu.memref_slice %arg3[%dma_wait3A_89, %dma_wait3A_90] : memref<1000000x64xf32, #tpu.memory_space<hbm>> -> memref<1000000x64xf32, #tpu.memory_space<hbm>>
    tpu.wait_indirect_dma semaphore(%arg8 : memref<!tpu.dma_semaphore, #tpu.memory_space<semaphore_mem>>) src(%dma_wait3A_91 : memref<1000000x64xf32, #tpu.memory_space<hbm>>) dst(%dma_wait3A_85 : memref<128x64xf32, #tpu.memory_space<vmem>>)
    %add3A_92 = arith.constant 796 : i32
    %add3A_93 = arith.addi %mul3A_2, %add3A_92 : i32
    %mul3A_94 = arith.constant 128 : i32
    %mul3A_95 = arith.muli %add3A_93, %mul3A_94 : i32
    %dma_start3A_96 = arith.constant 4 : i32
    %dma_start3A_97 = arith.constant 0 : i32
    %dma_start3A_98 = arith.constant 0 : i32
    %dma_start3A_99 = tpu.memref_slice %arg6[%dma_start3A_96, %dma_start3A_97, %dma_start3A_98] : memref<12x128x64xf32, #tpu.memory_space<vmem>> -> memref<1x128x64xf32, #tpu.memory_space<vmem>>
    %dma_start3A_100 = tpu.memref_squeeze %dma_start3A_99 : memref<1x128x64xf32, #tpu.memory_space<vmem>> -> memref<128x64xf32, #tpu.memory_space<vmem>>
    %dma_start3A_101 = arith.constant 0 : i32
    %dma_start3A_102 = tpu.memref_slice %arg4[%mul3A_95, %dma_start3A_101] : memref<3276800x64xf32, #tpu.memory_space<hbm>> -> memref<128x64xf32, #tpu.memory_space<hbm>>
    %dma_start3A_103 = arith.constant 0 : i32
    %dma_start3A_104 = tpu.memref_slice %arg4[%mul3A_95, %dma_start3A_103] : memref<3276800x64xf32, #tpu.memory_space<hbm>> -> memref<128x64xf32, #tpu.memory_space<hbm>>
    %dma_start3A_105 = arith.constant 0 : i32
    %dma_start3A_106 = arith.constant 0 : i32
    %dma_start3A_107 = tpu.memref_slice %arg6[%dma_start3A_96, %dma_start3A_105, %dma_start3A_106] : memref<12x128x64xf32, #tpu.memory_space<vmem>> -> memref<1x128x64xf32, #tpu.memory_space<vmem>>
    %dma_start3A_108 = tpu.memref_squeeze %dma_start3A_107 : memref<1x128x64xf32, #tpu.memory_space<vmem>> -> memref<128x64xf32, #tpu.memory_space<vmem>>
    tpu.enqueue_dma source(%dma_start3A_108 : memref<128x64xf32, #tpu.memory_space<vmem>>) target(%dma_start3A_104 : memref<128x64xf32, #tpu.memory_space<hbm>>) target_semaphore(%arg9 : memref<!tpu.dma_semaphore, #tpu.memory_space<semaphore_mem>>)
    %dma_wait3A_109 = arith.constant 0 : i32
    %dma_wait3A_110 = arith.constant 0 : i32
    %dma_wait3A_111 = arith.constant 0 : i32
    %dma_wait3A_112 = arith.constant 0 : i32
    %dma_wait3A_113 = arith.constant 0 : i32
    %dma_wait3A_114 = tpu.memref_slice %arg6[%dma_wait3A_111, %dma_wait3A_112, %dma_wait3A_113] : memref<12x128x64xf32, #tpu.memory_space<vmem>> -> memref<1x128x64xf32, #tpu.memory_space<vmem>>
    %dma_wait3A_115 = tpu.memref_squeeze %dma_wait3A_114 : memref<1x128x64xf32, #tpu.memory_space<vmem>> -> memref<128x64xf32, #tpu.memory_space<vmem>>
    %dma_wait3A_116 = arith.constant 0 : i32
    %dma_wait3A_117 = tpu.memref_slice %arg5[%dma_wait3A_109, %dma_wait3A_110, %dma_wait3A_116] : memref<2x40x128xi32, #tpu.memory_space<vmem>> -> memref<1x1x128xi32, #tpu.memory_space<vmem>>
    %dma_wait3A_118 = tpu.memref_squeeze %dma_wait3A_117 : memref<1x1x128xi32, #tpu.memory_space<vmem>> -> memref<128xi32, #tpu.memory_space<vmem>>
    %dma_wait3A_119 = arith.constant 0 : i32
    %dma_wait3A_120 = arith.constant 0 : i32
    %dma_wait3A_121 = tpu.memref_slice %arg3[%dma_wait3A_119, %dma_wait3A_120] : memref<1000000x64xf32, #tpu.memory_space<hbm>> -> memref<1000000x64xf32, #tpu.memory_space<hbm>>
    tpu.wait_indirect_dma semaphore(%arg8 : memref<!tpu.dma_semaphore, #tpu.memory_space<semaphore_mem>>) src(%dma_wait3A_121 : memref<1000000x64xf32, #tpu.memory_space<hbm>>) dst(%dma_wait3A_115 : memref<128x64xf32, #tpu.memory_space<vmem>>)
    %add3A_122 = arith.constant 797 : i32
    %add3A_123 = arith.addi %mul3A_2, %add3A_122 : i32
    %mul3A_124 = arith.constant 128 : i32
    %mul3A_125 = arith.muli %add3A_123, %mul3A_124 : i32
    %dma_start3A_126 = arith.constant 5 : i32
    %dma_start3A_127 = arith.constant 0 : i32
    %dma_start3A_128 = arith.constant 0 : i32
    %dma_start3A_129 = tpu.memref_slice %arg6[%dma_start3A_126, %dma_start3A_127, %dma_start3A_128] : memref<12x128x64xf32, #tpu.memory_space<vmem>> -> memref<1x128x64xf32, #tpu.memory_space<vmem>>
    %dma_start3A_130 = tpu.memref_squeeze %dma_start3A_129 : memref<1x128x64xf32, #tpu.memory_space<vmem>> -> memref<128x64xf32, #tpu.memory_space<vmem>>
    %dma_start3A_131 = arith.constant 0 : i32
    %dma_start3A_132 = tpu.memref_slice %arg4[%mul3A_125, %dma_start3A_131] : memref<3276800x64xf32, #tpu.memory_space<hbm>> -> memref<128x64xf32, #tpu.memory_space<hbm>>
    %dma_start3A_133 = arith.constant 0 : i32
    %dma_start3A_134 = tpu.memref_slice %arg4[%mul3A_125, %dma_start3A_133] : memref<3276800x64xf32, #tpu.memory_space<hbm>> -> memref<128x64xf32, #tpu.memory_space<hbm>>
    %dma_start3A_135 = arith.constant 0 : i32
    %dma_start3A_136 = arith.constant 0 : i32
    %dma_start3A_137 = tpu.memref_slice %arg6[%dma_start3A_126, %dma_start3A_135, %dma_start3A_136] : memref<12x128x64xf32, #tpu.memory_space<vmem>> -> memref<1x128x64xf32, #tpu.memory_space<vmem>>
    %dma_start3A_138 = tpu.memref_squeeze %dma_start3A_137 : memref<1x128x64xf32, #tpu.memory_space<vmem>> -> memref<128x64xf32, #tpu.memory_space<vmem>>
    tpu.enqueue_dma source(%dma_start3A_138 : memref<128x64xf32, #tpu.memory_space<vmem>>) target(%dma_start3A_134 : memref<128x64xf32, #tpu.memory_space<hbm>>) target_semaphore(%arg9 : memref<!tpu.dma_semaphore, #tpu.memory_space<semaphore_mem>>)
    %dma_wait3A_139 = arith.constant 0 : i32
    %dma_wait3A_140 = arith.constant 0 : i32
    %dma_wait3A_141 = arith.constant 0 : i32
    %dma_wait3A_142 = arith.constant 0 : i32
    %dma_wait3A_143 = arith.constant 0 : i32
    %dma_wait3A_144 = tpu.memref_slice %arg6[%dma_wait3A_141, %dma_wait3A_142, %dma_wait3A_143] : memref<12x128x64xf32, #tpu.memory_space<vmem>> -> memref<1x128x64xf32, #tpu.memory_space<vmem>>
    %dma_wait3A_145 = tpu.memref_squeeze %dma_wait3A_144 : memref<1x128x64xf32, #tpu.memory_space<vmem>> -> memref<128x64xf32, #tpu.memory_space<vmem>>
    %dma_wait3A_146 = arith.constant 0 : i32
    %dma_wait3A_147 = tpu.memref_slice %arg5[%dma_wait3A_139, %dma_wait3A_140, %dma_wait3A_146] : memref<2x40x128xi32, #tpu.memory_space<vmem>> -> memref<1x1x128xi32, #tpu.memory_space<vmem>>
    %dma_wait3A_148 = tpu.memref_squeeze %dma_wait3A_147 : memref<1x1x128xi32, #tpu.memory_space<vmem>> -> memref<128xi32, #tpu.memory_space<vmem>>
    %dma_wait3A_149 = arith.constant 0 : i32
    %dma_wait3A_150 = arith.constant 0 : i32
    %dma_wait3A_151 = tpu.memref_slice %arg3[%dma_wait3A_149, %dma_wait3A_150] : memref<1000000x64xf32, #tpu.memory_space<hbm>> -> memref<1000000x64xf32, #tpu.memory_space<hbm>>
    tpu.wait_indirect_dma semaphore(%arg8 : memref<!tpu.dma_semaphore, #tpu.memory_space<semaphore_mem>>) src(%dma_wait3A_151 : memref<1000000x64xf32, #tpu.memory_space<hbm>>) dst(%dma_wait3A_145 : memref<128x64xf32, #tpu.memory_space<vmem>>)
    %add3A_152 = arith.constant 798 : i32
    %add3A_153 = arith.addi %mul3A_2, %add3A_152 : i32
    %mul3A_154 = arith.constant 128 : i32
    %mul3A_155 = arith.muli %add3A_153, %mul3A_154 : i32
    %dma_start3A_156 = arith.constant 6 : i32
    %dma_start3A_157 = arith.constant 0 : i32
    %dma_start3A_158 = arith.constant 0 : i32
    %dma_start3A_159 = tpu.memref_slice %arg6[%dma_start3A_156, %dma_start3A_157, %dma_start3A_158] : memref<12x128x64xf32, #tpu.memory_space<vmem>> -> memref<1x128x64xf32, #tpu.memory_space<vmem>>
    %dma_start3A_160 = tpu.memref_squeeze %dma_start3A_159 : memref<1x128x64xf32, #tpu.memory_space<vmem>> -> memref<128x64xf32, #tpu.memory_space<vmem>>
    %dma_start3A_161 = arith.constant 0 : i32
    %dma_start3A_162 = tpu.memref_slice %arg4[%mul3A_155, %dma_start3A_161] : memref<3276800x64xf32, #tpu.memory_space<hbm>> -> memref<128x64xf32, #tpu.memory_space<hbm>>
    %dma_start3A_163 = arith.constant 0 : i32
    %dma_start3A_164 = tpu.memref_slice %arg4[%mul3A_155, %dma_start3A_163] : memref<3276800x64xf32, #tpu.memory_space<hbm>> -> memref<128x64xf32, #tpu.memory_space<hbm>>
    %dma_start3A_165 = arith.constant 0 : i32
    %dma_start3A_166 = arith.constant 0 : i32
    %dma_start3A_167 = tpu.memref_slice %arg6[%dma_start3A_156, %dma_start3A_165, %dma_start3A_166] : memref<12x128x64xf32, #tpu.memory_space<vmem>> -> memref<1x128x64xf32, #tpu.memory_space<vmem>>
    %dma_start3A_168 = tpu.memref_squeeze %dma_start3A_167 : memref<1x128x64xf32, #tpu.memory_space<vmem>> -> memref<128x64xf32, #tpu.memory_space<vmem>>
    tpu.enqueue_dma source(%dma_start3A_168 : memref<128x64xf32, #tpu.memory_space<vmem>>) target(%dma_start3A_164 : memref<128x64xf32, #tpu.memory_space<hbm>>) target_semaphore(%arg9 : memref<!tpu.dma_semaphore, #tpu.memory_space<semaphore_mem>>)
    %dma_wait3A_169 = arith.constant 0 : i32
    %dma_wait3A_170 = arith.constant 0 : i32
    %dma_wait3A_171 = arith.constant 0 : i32
    %dma_wait3A_172 = arith.constant 0 : i32
    %dma_wait3A_173 = arith.constant 0 : i32
    %dma_wait3A_174 = tpu.memref_slice %arg6[%dma_wait3A_171, %dma_wait3A_172, %dma_wait3A_173] : memref<12x128x64xf32, #tpu.memory_space<vmem>> -> memref<1x128x64xf32, #tpu.memory_space<vmem>>
    %dma_wait3A_175 = tpu.memref_squeeze %dma_wait3A_174 : memref<1x128x64xf32, #tpu.memory_space<vmem>> -> memref<128x64xf32, #tpu.memory_space<vmem>>
    %dma_wait3A_176 = arith.constant 0 : i32
    %dma_wait3A_177 = tpu.memref_slice %arg5[%dma_wait3A_169, %dma_wait3A_170, %dma_wait3A_176] : memref<2x40x128xi32, #tpu.memory_space<vmem>> -> memref<1x1x128xi32, #tpu.memory_space<vmem>>
    %dma_wait3A_178 = tpu.memref_squeeze %dma_wait3A_177 : memref<1x1x128xi32, #tpu.memory_space<vmem>> -> memref<128xi32, #tpu.memory_space<vmem>>
    %dma_wait3A_179 = arith.constant 0 : i32
    %dma_wait3A_180 = arith.constant 0 : i32
    %dma_wait3A_181 = tpu.memref_slice %arg3[%dma_wait3A_179, %dma_wait3A_180] : memref<1000000x64xf32, #tpu.memory_space<hbm>> -> memref<1000000x64xf32, #tpu.memory_space<hbm>>
    tpu.wait_indirect_dma semaphore(%arg8 : memref<!tpu.dma_semaphore, #tpu.memory_space<semaphore_mem>>) src(%dma_wait3A_181 : memref<1000000x64xf32, #tpu.memory_space<hbm>>) dst(%dma_wait3A_175 : memref<128x64xf32, #tpu.memory_space<vmem>>)
    %add3A_182 = arith.constant 799 : i32
    %add3A_183 = arith.addi %mul3A_2, %add3A_182 : i32
    %mul3A_184 = arith.constant 128 : i32
    %mul3A_185 = arith.muli %add3A_183, %mul3A_184 : i32
    %dma_start3A_186 = arith.constant 7 : i32
    %dma_start3A_187 = arith.constant 0 : i32
    %dma_start3A_188 = arith.constant 0 : i32
    %dma_start3A_189 = tpu.memref_slice %arg6[%dma_start3A_186, %dma_start3A_187, %dma_start3A_188] : memref<12x128x64xf32, #tpu.memory_space<vmem>> -> memref<1x128x64xf32, #tpu.memory_space<vmem>>
    %dma_start3A_190 = tpu.memref_squeeze %dma_start3A_189 : memref<1x128x64xf32, #tpu.memory_space<vmem>> -> memref<128x64xf32, #tpu.memory_space<vmem>>
    %dma_start3A_191 = arith.constant 0 : i32
    %dma_start3A_192 = tpu.memref_slice %arg4[%mul3A_185, %dma_start3A_191] : memref<3276800x64xf32, #tpu.memory_space<hbm>> -> memref<128x64xf32, #tpu.memory_space<hbm>>
    %dma_start3A_193 = arith.constant 0 : i32
    %dma_start3A_194 = tpu.memref_slice %arg4[%mul3A_185, %dma_start3A_193] : memref<3276800x64xf32, #tpu.memory_space<hbm>> -> memref<128x64xf32, #tpu.memory_space<hbm>>
    %dma_start3A_195 = arith.constant 0 : i32
    %dma_start3A_196 = arith.constant 0 : i32
    %dma_start3A_197 = tpu.memref_slice %arg6[%dma_start3A_186, %dma_start3A_195, %dma_start3A_196] : memref<12x128x64xf32, #tpu.memory_space<vmem>> -> memref<1x128x64xf32, #tpu.memory_space<vmem>>
    %dma_start3A_198 = tpu.memref_squeeze %dma_start3A_197 : memref<1x128x64xf32, #tpu.memory_space<vmem>> -> memref<128x64xf32, #tpu.memory_space<vmem>>
    tpu.enqueue_dma source(%dma_start3A_198 : memref<128x64xf32, #tpu.memory_space<vmem>>) target(%dma_start3A_194 : memref<128x64xf32, #tpu.memory_space<hbm>>) target_semaphore(%arg9 : memref<!tpu.dma_semaphore, #tpu.memory_space<semaphore_mem>>)
    %dma_wait3A_199 = arith.constant 0 : i32
    %dma_wait3A_200 = arith.constant 0 : i32
    %dma_wait3A_201 = arith.constant 0 : i32
    %dma_wait3A_202 = tpu.memref_slice %arg6[%dma_wait3A_199, %dma_wait3A_200, %dma_wait3A_201] : memref<12x128x64xf32, #tpu.memory_space<vmem>> -> memref<1x128x64xf32, #tpu.memory_space<vmem>>
    %dma_wait3A_203 = tpu.memref_squeeze %dma_wait3A_202 : memref<1x128x64xf32, #tpu.memory_space<vmem>> -> memref<128x64xf32, #tpu.memory_space<vmem>>
    %dma_wait3A_204 = arith.constant 0 : i32
    %dma_wait3A_205 = arith.constant 0 : i32
    %dma_wait3A_206 = tpu.memref_slice %arg4[%dma_wait3A_204, %dma_wait3A_205] : memref<3276800x64xf32, #tpu.memory_space<hbm>> -> memref<128x64xf32, #tpu.memory_space<hbm>>
    %dma_wait3A_207 = arith.constant 0 : i32
    %dma_wait3A_208 = arith.constant 0 : i32
    %dma_wait3A_209 = tpu.memref_slice %arg4[%dma_wait3A_207, %dma_wait3A_208] : memref<3276800x64xf32, #tpu.memory_space<hbm>> -> memref<128x64xf32, #tpu.memory_space<hbm>>
    %dma_wait3A_210 = arith.constant 0 : i32
    %dma_wait3A_211 = arith.constant 0 : i32
    %dma_wait3A_212 = tpu.memref_slice %arg6[%dma_wait3A_199, %dma_wait3A_210, %dma_wait3A_211] : memref<12x128x64xf32, #tpu.memory_space<vmem>> -> memref<1x128x64xf32, #tpu.memory_space<vmem>>
    %dma_wait3A_213 = tpu.memref_squeeze %dma_wait3A_212 : memref<1x128x64xf32, #tpu.memory_space<vmem>> -> memref<128x64xf32, #tpu.memory_space<vmem>>
    tpu.wait_dma2 semaphore(%arg9 : memref<!tpu.dma_semaphore, #tpu.memory_space<semaphore_mem>>) src(%dma_wait3A_213 : memref<128x64xf32, #tpu.memory_space<vmem>>) dst(%dma_wait3A_209 : memref<128x64xf32, #tpu.memory_space<hbm>>)
    %dma_wait3A_214 = arith.constant 0 : i32
    %dma_wait3A_215 = arith.constant 0 : i32
    %dma_wait3A_216 = arith.constant 0 : i32
    %dma_wait3A_217 = tpu.memref_slice %arg6[%dma_wait3A_214, %dma_wait3A_215, %dma_wait3A_216] : memref<12x128x64xf32, #tpu.memory_space<vmem>> -> memref<1x128x64xf32, #tpu.memory_space<vmem>>
    %dma_wait3A_218 = tpu.memref_squeeze %dma_wait3A_217 : memref<1x128x64xf32, #tpu.memory_space<vmem>> -> memref<128x64xf32, #tpu.memory_space<vmem>>
    %dma_wait3A_219 = arith.constant 0 : i32
    %dma_wait3A_220 = arith.constant 0 : i32
    %dma_wait3A_221 = tpu.memref_slice %arg4[%dma_wait3A_219, %dma_wait3A_220] : memref<3276800x64xf32, #tpu.memory_space<hbm>> -> memref<128x64xf32, #tpu.memory_space<hbm>>
    %dma_wait3A_222 = arith.constant 0 : i32
    %dma_wait3A_223 = arith.constant 0 : i32
    %dma_wait3A_224 = tpu.memref_slice %arg4[%dma_wait3A_222, %dma_wait3A_223] : memref<3276800x64xf32, #tpu.memory_space<hbm>> -> memref<128x64xf32, #tpu.memory_space<hbm>>
    %dma_wait3A_225 = arith.constant 0 : i32
    %dma_wait3A_226 = arith.constant 0 : i32
    %dma_wait3A_227 = tpu.memref_slice %arg6[%dma_wait3A_214, %dma_wait3A_225, %dma_wait3A_226] : memref<12x128x64xf32, #tpu.memory_space<vmem>> -> memref<1x128x64xf32, #tpu.memory_space<vmem>>
    %dma_wait3A_228 = tpu.memref_squeeze %dma_wait3A_227 : memref<1x128x64xf32, #tpu.memory_space<vmem>> -> memref<128x64xf32, #tpu.memory_space<vmem>>
    tpu.wait_dma2 semaphore(%arg9 : memref<!tpu.dma_semaphore, #tpu.memory_space<semaphore_mem>>) src(%dma_wait3A_228 : memref<128x64xf32, #tpu.memory_space<vmem>>) dst(%dma_wait3A_224 : memref<128x64xf32, #tpu.memory_space<hbm>>)
    %dma_wait3A_229 = arith.constant 0 : i32
    %dma_wait3A_230 = arith.constant 0 : i32
    %dma_wait3A_231 = arith.constant 0 : i32
    %dma_wait3A_232 = tpu.memref_slice %arg6[%dma_wait3A_229, %dma_wait3A_230, %dma_wait3A_231] : memref<12x128x64xf32, #tpu.memory_space<vmem>> -> memref<1x128x64xf32, #tpu.memory_space<vmem>>
    %dma_wait3A_233 = tpu.memref_squeeze %dma_wait3A_232 : memref<1x128x64xf32, #tpu.memory_space<vmem>> -> memref<128x64xf32, #tpu.memory_space<vmem>>
    %dma_wait3A_234 = arith.constant 0 : i32
    %dma_wait3A_235 = arith.constant 0 : i32
    %dma_wait3A_236 = tpu.memref_slice %arg4[%dma_wait3A_234, %dma_wait3A_235] : memref<3276800x64xf32, #tpu.memory_space<hbm>> -> memref<128x64xf32, #tpu.memory_space<hbm>>
    %dma_wait3A_237 = arith.constant 0 : i32
    %dma_wait3A_238 = arith.constant 0 : i32
    %dma_wait3A_239 = tpu.memref_slice %arg4[%dma_wait3A_237, %dma_wait3A_238] : memref<3276800x64xf32, #tpu.memory_space<hbm>> -> memref<128x64xf32, #tpu.memory_space<hbm>>
    %dma_wait3A_240 = arith.constant 0 : i32
    %dma_wait3A_241 = arith.constant 0 : i32
    %dma_wait3A_242 = tpu.memref_slice %arg6[%dma_wait3A_229, %dma_wait3A_240, %dma_wait3A_241] : memref<12x128x64xf32, #tpu.memory_space<vmem>> -> memref<1x128x64xf32, #tpu.memory_space<vmem>>
    %dma_wait3A_243 = tpu.memref_squeeze %dma_wait3A_242 : memref<1x128x64xf32, #tpu.memory_space<vmem>> -> memref<128x64xf32, #tpu.memory_space<vmem>>
    tpu.wait_dma2 semaphore(%arg9 : memref<!tpu.dma_semaphore, #tpu.memory_space<semaphore_mem>>) src(%dma_wait3A_243 : memref<128x64xf32, #tpu.memory_space<vmem>>) dst(%dma_wait3A_239 : memref<128x64xf32, #tpu.memory_space<hbm>>)
    %dma_wait3A_244 = arith.constant 0 : i32
    %dma_wait3A_245 = arith.constant 0 : i32
    %dma_wait3A_246 = arith.constant 0 : i32
    %dma_wait3A_247 = tpu.memref_slice %arg6[%dma_wait3A_244, %dma_wait3A_245, %dma_wait3A_246] : memref<12x128x64xf32, #tpu.memory_space<vmem>> -> memref<1x128x64xf32, #tpu.memory_space<vmem>>
    %dma_wait3A_248 = tpu.memref_squeeze %dma_wait3A_247 : memref<1x128x64xf32, #tpu.memory_space<vmem>> -> memref<128x64xf32, #tpu.memory_space<vmem>>
    %dma_wait3A_249 = arith.constant 0 : i32
    %dma_wait3A_250 = arith.constant 0 : i32
    %dma_wait3A_251 = tpu.memref_slice %arg4[%dma_wait3A_249, %dma_wait3A_250] : memref<3276800x64xf32, #tpu.memory_space<hbm>> -> memref<128x64xf32, #tpu.memory_space<hbm>>
    %dma_wait3A_252 = arith.constant 0 : i32
    %dma_wait3A_253 = arith.constant 0 : i32
    %dma_wait3A_254 = tpu.memref_slice %arg4[%dma_wait3A_252, %dma_wait3A_253] : memref<3276800x64xf32, #tpu.memory_space<hbm>> -> memref<128x64xf32, #tpu.memory_space<hbm>>
    %dma_wait3A_255 = arith.constant 0 : i32
    %dma_wait3A_256 = arith.constant 0 : i32
    %dma_wait3A_257 = tpu.memref_slice %arg6[%dma_wait3A_244, %dma_wait3A_255, %dma_wait3A_256] : memref<12x128x64xf32, #tpu.memory_space<vmem>> -> memref<1x128x64xf32, #tpu.memory_space<vmem>>
    %dma_wait3A_258 = tpu.memref_squeeze %dma_wait3A_257 : memref<1x128x64xf32, #tpu.memory_space<vmem>> -> memref<128x64xf32, #tpu.memory_space<vmem>>
    tpu.wait_dma2 semaphore(%arg9 : memref<!tpu.dma_semaphore, #tpu.memory_space<semaphore_mem>>) src(%dma_wait3A_258 : memref<128x64xf32, #tpu.memory_space<vmem>>) dst(%dma_wait3A_254 : memref<128x64xf32, #tpu.memory_space<hbm>>)
    %dma_wait3A_259 = arith.constant 0 : i32
    %dma_wait3A_260 = arith.constant 0 : i32
    %dma_wait3A_261 = arith.constant 0 : i32
    %dma_wait3A_262 = tpu.memref_slice %arg6[%dma_wait3A_259, %dma_wait3A_260, %dma_wait3A_261] : memref<12x128x64xf32, #tpu.memory_space<vmem>> -> memref<1x128x64xf32, #tpu.memory_space<vmem>>
    %dma_wait3A_263 = tpu.memref_squeeze %dma_wait3A_262 : memref<1x128x64xf32, #tpu.memory_space<vmem>> -> memref<128x64xf32, #tpu.memory_space<vmem>>
    %dma_wait3A_264 = arith.constant 0 : i32
    %dma_wait3A_265 = arith.constant 0 : i32
    %dma_wait3A_266 = tpu.memref_slice %arg4[%dma_wait3A_264, %dma_wait3A_265] : memref<3276800x64xf32, #tpu.memory_space<hbm>> -> memref<128x64xf32, #tpu.memory_space<hbm>>
    %dma_wait3A_267 = arith.constant 0 : i32
    %dma_wait3A_268 = arith.constant 0 : i32
    %dma_wait3A_269 = tpu.memref_slice %arg4[%dma_wait3A_267, %dma_wait3A_268] : memref<3276800x64xf32, #tpu.memory_space<hbm>> -> memref<128x64xf32, #tpu.memory_space<hbm>>
    %dma_wait3A_270 = arith.constant 0 : i32
    %dma_wait3A_271 = arith.constant 0 : i32
    %dma_wait3A_272 = tpu.memref_slice %arg6[%dma_wait3A_259, %dma_wait3A_270, %dma_wait3A_271] : memref<12x128x64xf32, #tpu.memory_space<vmem>> -> memref<1x128x64xf32, #tpu.memory_space<vmem>>
    %dma_wait3A_273 = tpu.memref_squeeze %dma_wait3A_272 : memref<1x128x64xf32, #tpu.memory_space<vmem>> -> memref<128x64xf32, #tpu.memory_space<vmem>>
    tpu.wait_dma2 semaphore(%arg9 : memref<!tpu.dma_semaphore, #tpu.memory_space<semaphore_mem>>) src(%dma_wait3A_273 : memref<128x64xf32, #tpu.memory_space<vmem>>) dst(%dma_wait3A_269 : memref<128x64xf32, #tpu.memory_space<hbm>>)
    %dma_wait3A_274 = arith.constant 0 : i32
    %dma_wait3A_275 = arith.constant 0 : i32
    %dma_wait3A_276 = arith.constant 0 : i32
    %dma_wait3A_277 = tpu.memref_slice %arg6[%dma_wait3A_274, %dma_wait3A_275, %dma_wait3A_276] : memref<12x128x64xf32, #tpu.memory_space<vmem>> -> memref<1x128x64xf32, #tpu.memory_space<vmem>>
    %dma_wait3A_278 = tpu.memref_squeeze %dma_wait3A_277 : memref<1x128x64xf32, #tpu.memory_space<vmem>> -> memref<128x64xf32, #tpu.memory_space<vmem>>
    %dma_wait3A_279 = arith.constant 0 : i32
    %dma_wait3A_280 = arith.constant 0 : i32
    %dma_wait3A_281 = tpu.memref_slice %arg4[%dma_wait3A_279, %dma_wait3A_280] : memref<3276800x64xf32, #tpu.memory_space<hbm>> -> memref<128x64xf32, #tpu.memory_space<hbm>>
    %dma_wait3A_282 = arith.constant 0 : i32
    %dma_wait3A_283 = arith.constant 0 : i32
    %dma_wait3A_284 = tpu.memref_slice %arg4[%dma_wait3A_282, %dma_wait3A_283] : memref<3276800x64xf32, #tpu.memory_space<hbm>> -> memref<128x64xf32, #tpu.memory_space<hbm>>
    %dma_wait3A_285 = arith.constant 0 : i32
    %dma_wait3A_286 = arith.constant 0 : i32
    %dma_wait3A_287 = tpu.memref_slice %arg6[%dma_wait3A_274, %dma_wait3A_285, %dma_wait3A_286] : memref<12x128x64xf32, #tpu.memory_space<vmem>> -> memref<1x128x64xf32, #tpu.memory_space<vmem>>
    %dma_wait3A_288 = tpu.memref_squeeze %dma_wait3A_287 : memref<1x128x64xf32, #tpu.memory_space<vmem>> -> memref<128x64xf32, #tpu.memory_space<vmem>>
    tpu.wait_dma2 semaphore(%arg9 : memref<!tpu.dma_semaphore, #tpu.memory_space<semaphore_mem>>) src(%dma_wait3A_288 : memref<128x64xf32, #tpu.memory_space<vmem>>) dst(%dma_wait3A_284 : memref<128x64xf32, #tpu.memory_space<hbm>>)
    %dma_wait3A_289 = arith.constant 0 : i32
    %dma_wait3A_290 = arith.constant 0 : i32
    %dma_wait3A_291 = arith.constant 0 : i32
    %dma_wait3A_292 = tpu.memref_slice %arg6[%dma_wait3A_289, %dma_wait3A_290, %dma_wait3A_291] : memref<12x128x64xf32, #tpu.memory_space<vmem>> -> memref<1x128x64xf32, #tpu.memory_space<vmem>>
    %dma_wait3A_293 = tpu.memref_squeeze %dma_wait3A_292 : memref<1x128x64xf32, #tpu.memory_space<vmem>> -> memref<128x64xf32, #tpu.memory_space<vmem>>
    %dma_wait3A_294 = arith.constant 0 : i32
    %dma_wait3A_295 = arith.constant 0 : i32
    %dma_wait3A_296 = tpu.memref_slice %arg4[%dma_wait3A_294, %dma_wait3A_295] : memref<3276800x64xf32, #tpu.memory_space<hbm>> -> memref<128x64xf32, #tpu.memory_space<hbm>>
    %dma_wait3A_297 = arith.constant 0 : i32
    %dma_wait3A_298 = arith.constant 0 : i32
    %dma_wait3A_299 = tpu.memref_slice %arg4[%dma_wait3A_297, %dma_wait3A_298] : memref<3276800x64xf32, #tpu.memory_space<hbm>> -> memref<128x64xf32, #tpu.memory_space<hbm>>
    %dma_wait3A_300 = arith.constant 0 : i32
    %dma_wait3A_301 = arith.constant 0 : i32
    %dma_wait3A_302 = tpu.memref_slice %arg6[%dma_wait3A_289, %dma_wait3A_300, %dma_wait3A_301] : memref<12x128x64xf32, #tpu.memory_space<vmem>> -> memref<1x128x64xf32, #tpu.memory_space<vmem>>
    %dma_wait3A_303 = tpu.memref_squeeze %dma_wait3A_302 : memref<1x128x64xf32, #tpu.memory_space<vmem>> -> memref<128x64xf32, #tpu.memory_space<vmem>>
    tpu.wait_dma2 semaphore(%arg9 : memref<!tpu.dma_semaphore, #tpu.memory_space<semaphore_mem>>) src(%dma_wait3A_303 : memref<128x64xf32, #tpu.memory_space<vmem>>) dst(%dma_wait3A_299 : memref<128x64xf32, #tpu.memory_space<hbm>>)
    %dma_wait3A_304 = arith.constant 0 : i32
    %dma_wait3A_305 = arith.constant 0 : i32
    %dma_wait3A_306 = arith.constant 0 : i32
    %dma_wait3A_307 = tpu.memref_slice %arg6[%dma_wait3A_304, %dma_wait3A_305, %dma_wait3A_306] : memref<12x128x64xf32, #tpu.memory_space<vmem>> -> memref<1x128x64xf32, #tpu.memory_space<vmem>>
    %dma_wait3A_308 = tpu.memref_squeeze %dma_wait3A_307 : memref<1x128x64xf32, #tpu.memory_space<vmem>> -> memref<128x64xf32, #tpu.memory_space<vmem>>
    %dma_wait3A_309 = arith.constant 0 : i32
    %dma_wait3A_310 = arith.constant 0 : i32
    %dma_wait3A_311 = tpu.memref_slice %arg4[%dma_wait3A_309, %dma_wait3A_310] : memref<3276800x64xf32, #tpu.memory_space<hbm>> -> memref<128x64xf32, #tpu.memory_space<hbm>>
    %dma_wait3A_312 = arith.constant 0 : i32
    %dma_wait3A_313 = arith.constant 0 : i32
    %dma_wait3A_314 = tpu.memref_slice %arg4[%dma_wait3A_312, %dma_wait3A_313] : memref<3276800x64xf32, #tpu.memory_space<hbm>> -> memref<128x64xf32, #tpu.memory_space<hbm>>
    %dma_wait3A_315 = arith.constant 0 : i32
    %dma_wait3A_316 = arith.constant 0 : i32
    %dma_wait3A_317 = tpu.memref_slice %arg6[%dma_wait3A_304, %dma_wait3A_315, %dma_wait3A_316] : memref<12x128x64xf32, #tpu.memory_space<vmem>> -> memref<1x128x64xf32, #tpu.memory_space<vmem>>
    %dma_wait3A_318 = tpu.memref_squeeze %dma_wait3A_317 : memref<1x128x64xf32, #tpu.memory_space<vmem>> -> memref<128x64xf32, #tpu.memory_space<vmem>>
    tpu.wait_dma2 semaphore(%arg9 : memref<!tpu.dma_semaphore, #tpu.memory_space<semaphore_mem>>) src(%dma_wait3A_318 : memref<128x64xf32, #tpu.memory_space<vmem>>) dst(%dma_wait3A_314 : memref<128x64xf32, #tpu.memory_space<hbm>>)
    %dma_wait3A_319 = arith.constant 0 : i32
    %dma_wait3A_320 = arith.constant 0 : i32
    %dma_wait3A_321 = arith.constant 0 : i32
    %dma_wait3A_322 = tpu.memref_slice %arg6[%dma_wait3A_319, %dma_wait3A_320, %dma_wait3A_321] : memref<12x128x64xf32, #tpu.memory_space<vmem>> -> memref<1x128x64xf32, #tpu.memory_space<vmem>>
    %dma_wait3A_323 = tpu.memref_squeeze %dma_wait3A_322 : memref<1x128x64xf32, #tpu.memory_space<vmem>> -> memref<128x64xf32, #tpu.memory_space<vmem>>
    %dma_wait3A_324 = arith.constant 0 : i32
    %dma_wait3A_325 = arith.constant 0 : i32
    %dma_wait3A_326 = tpu.memref_slice %arg4[%dma_wait3A_324, %dma_wait3A_325] : memref<3276800x64xf32, #tpu.memory_space<hbm>> -> memref<128x64xf32, #tpu.memory_space<hbm>>
    %dma_wait3A_327 = arith.constant 0 : i32
    %dma_wait3A_328 = arith.constant 0 : i32
    %dma_wait3A_329 = tpu.memref_slice %arg4[%dma_wait3A_327, %dma_wait3A_328] : memref<3276800x64xf32, #tpu.memory_space<hbm>> -> memref<128x64xf32, #tpu.memory_space<hbm>>
    %dma_wait3A_330 = arith.constant 0 : i32
    %dma_wait3A_331 = arith.constant 0 : i32
    %dma_wait3A_332 = tpu.memref_slice %arg6[%dma_wait3A_319, %dma_wait3A_330, %dma_wait3A_331] : memref<12x128x64xf32, #tpu.memory_space<vmem>> -> memref<1x128x64xf32, #tpu.memory_space<vmem>>
    %dma_wait3A_333 = tpu.memref_squeeze %dma_wait3A_332 : memref<1x128x64xf32, #tpu.memory_space<vmem>> -> memref<128x64xf32, #tpu.memory_space<vmem>>
    tpu.wait_dma2 semaphore(%arg9 : memref<!tpu.dma_semaphore, #tpu.memory_space<semaphore_mem>>) src(%dma_wait3A_333 : memref<128x64xf32, #tpu.memory_space<vmem>>) dst(%dma_wait3A_329 : memref<128x64xf32, #tpu.memory_space<hbm>>)
    %dma_wait3A_334 = arith.constant 0 : i32
    %dma_wait3A_335 = arith.constant 0 : i32
    %dma_wait3A_336 = arith.constant 0 : i32
    %dma_wait3A_337 = tpu.memref_slice %arg6[%dma_wait3A_334, %dma_wait3A_335, %dma_wait3A_336] : memref<12x128x64xf32, #tpu.memory_space<vmem>> -> memref<1x128x64xf32, #tpu.memory_space<vmem>>
    %dma_wait3A_338 = tpu.memref_squeeze %dma_wait3A_337 : memref<1x128x64xf32, #tpu.memory_space<vmem>> -> memref<128x64xf32, #tpu.memory_space<vmem>>
    %dma_wait3A_339 = arith.constant 0 : i32
    %dma_wait3A_340 = arith.constant 0 : i32
    %dma_wait3A_341 = tpu.memref_slice %arg4[%dma_wait3A_339, %dma_wait3A_340] : memref<3276800x64xf32, #tpu.memory_space<hbm>> -> memref<128x64xf32, #tpu.memory_space<hbm>>
    %dma_wait3A_342 = arith.constant 0 : i32
    %dma_wait3A_343 = arith.constant 0 : i32
    %dma_wait3A_344 = tpu.memref_slice %arg4[%dma_wait3A_342, %dma_wait3A_343] : memref<3276800x64xf32, #tpu.memory_space<hbm>> -> memref<128x64xf32, #tpu.memory_space<hbm>>
    %dma_wait3A_345 = arith.constant 0 : i32
    %dma_wait3A_346 = arith.constant 0 : i32
    %dma_wait3A_347 = tpu.memref_slice %arg6[%dma_wait3A_334, %dma_wait3A_345, %dma_wait3A_346] : memref<12x128x64xf32, #tpu.memory_space<vmem>> -> memref<1x128x64xf32, #tpu.memory_space<vmem>>
    %dma_wait3A_348 = tpu.memref_squeeze %dma_wait3A_347 : memref<1x128x64xf32, #tpu.memory_space<vmem>> -> memref<128x64xf32, #tpu.memory_space<vmem>>
    tpu.wait_dma2 semaphore(%arg9 : memref<!tpu.dma_semaphore, #tpu.memory_space<semaphore_mem>>) src(%dma_wait3A_348 : memref<128x64xf32, #tpu.memory_space<vmem>>) dst(%dma_wait3A_344 : memref<128x64xf32, #tpu.memory_space<hbm>>)
    %dma_wait3A_349 = arith.constant 0 : i32
    %dma_wait3A_350 = arith.constant 0 : i32
    %dma_wait3A_351 = arith.constant 0 : i32
    %dma_wait3A_352 = tpu.memref_slice %arg6[%dma_wait3A_349, %dma_wait3A_350, %dma_wait3A_351] : memref<12x128x64xf32, #tpu.memory_space<vmem>> -> memref<1x128x64xf32, #tpu.memory_space<vmem>>
    %dma_wait3A_353 = tpu.memref_squeeze %dma_wait3A_352 : memref<1x128x64xf32, #tpu.memory_space<vmem>> -> memref<128x64xf32, #tpu.memory_space<vmem>>
    %dma_wait3A_354 = arith.constant 0 : i32
    %dma_wait3A_355 = arith.constant 0 : i32
    %dma_wait3A_356 = tpu.memref_slice %arg4[%dma_wait3A_354, %dma_wait3A_355] : memref<3276800x64xf32, #tpu.memory_space<hbm>> -> memref<128x64xf32, #tpu.memory_space<hbm>>
    %dma_wait3A_357 = arith.constant 0 : i32
    %dma_wait3A_358 = arith.constant 0 : i32
    %dma_wait3A_359 = tpu.memref_slice %arg4[%dma_wait3A_357, %dma_wait3A_358] : memref<3276800x64xf32, #tpu.memory_space<hbm>> -> memref<128x64xf32, #tpu.memory_space<hbm>>
    %dma_wait3A_360 = arith.constant 0 : i32
    %dma_wait3A_361 = arith.constant 0 : i32
    %dma_wait3A_362 = tpu.memref_slice %arg6[%dma_wait3A_349, %dma_wait3A_360, %dma_wait3A_361] : memref<12x128x64xf32, #tpu.memory_space<vmem>> -> memref<1x128x64xf32, #tpu.memory_space<vmem>>
    %dma_wait3A_363 = tpu.memref_squeeze %dma_wait3A_362 : memref<1x128x64xf32, #tpu.memory_space<vmem>> -> memref<128x64xf32, #tpu.memory_space<vmem>>
    tpu.wait_dma2 semaphore(%arg9 : memref<!tpu.dma_semaphore, #tpu.memory_space<semaphore_mem>>) src(%dma_wait3A_363 : memref<128x64xf32, #tpu.memory_space<vmem>>) dst(%dma_wait3A_359 : memref<128x64xf32, #tpu.memory_space<hbm>>)
    %dma_wait3A_364 = arith.constant 0 : i32
    %dma_wait3A_365 = arith.constant 0 : i32
    %dma_wait3A_366 = arith.constant 0 : i32
    %dma_wait3A_367 = tpu.memref_slice %arg6[%dma_wait3A_364, %dma_wait3A_365, %dma_wait3A_366] : memref<12x128x64xf32, #tpu.memory_space<vmem>> -> memref<1x128x64xf32, #tpu.memory_space<vmem>>
    %dma_wait3A_368 = tpu.memref_squeeze %dma_wait3A_367 : memref<1x128x64xf32, #tpu.memory_space<vmem>> -> memref<128x64xf32, #tpu.memory_space<vmem>>
    %dma_wait3A_369 = arith.constant 0 : i32
    %dma_wait3A_370 = arith.constant 0 : i32
    %dma_wait3A_371 = tpu.memref_slice %arg4[%dma_wait3A_369, %dma_wait3A_370] : memref<3276800x64xf32, #tpu.memory_space<hbm>> -> memref<128x64xf32, #tpu.memory_space<hbm>>
    %dma_wait3A_372 = arith.constant 0 : i32
    %dma_wait3A_373 = arith.constant 0 : i32
    %dma_wait3A_374 = tpu.memref_slice %arg4[%dma_wait3A_372, %dma_wait3A_373] : memref<3276800x64xf32, #tpu.memory_space<hbm>> -> memref<128x64xf32, #tpu.memory_space<hbm>>
    %dma_wait3A_375 = arith.constant 0 : i32
    %dma_wait3A_376 = arith.constant 0 : i32
    %dma_wait3A_377 = tpu.memref_slice %arg6[%dma_wait3A_364, %dma_wait3A_375, %dma_wait3A_376] : memref<12x128x64xf32, #tpu.memory_space<vmem>> -> memref<1x128x64xf32, #tpu.memory_space<vmem>>
    %dma_wait3A_378 = tpu.memref_squeeze %dma_wait3A_377 : memref<1x128x64xf32, #tpu.memory_space<vmem>> -> memref<128x64xf32, #tpu.memory_space<vmem>>
    tpu.wait_dma2 semaphore(%arg9 : memref<!tpu.dma_semaphore, #tpu.memory_space<semaphore_mem>>) src(%dma_wait3A_378 : memref<128x64xf32, #tpu.memory_space<vmem>>) dst(%dma_wait3A_374 : memref<128x64xf32, #tpu.memory_space<hbm>>)
    return
  }
}

</mosaic_0001>

<sc_bundles>
// kernel: kernel.3.cloned.1.call-start
scs
__scs_entry_jumppad:
0x0: {  	(pc) =	sbr.rel $0x88, $3  }
0x1: {  	(tag) =	ssettag $0x0;
	lr =	simm.s32 $0x1  }
0x2: {  	[smem:$0x3F9F] =	sst lr;
	_ =	strace $0xD0000000  }
0x3: {  	_ = 	snop  }
0x4: {  	_ = 	snop  }
0x5: {  	_ = 	snop  }
0x6: {  	_ = 	snop  }
0x7: {  	_ = 	snop  }
__scs_overlays_trampoline_lowered:
0x8: {  	[smem:$0x3FAE] =	sst s0  }
0x9: {  	[smem:$0x3FAF] =	sst s1  }
0xa: {  	[smem:$0x3FB0] =	sst s2  }
0xb: {  	[smem:$0x3FB1] =	sst s3  }
0xc: {  	[smem:$0x3FB2] =	sst s4  }
0xd: {  	[smem:$0x3FB3] =	sst s5  }
0xe: {  	[smem:$0x3FB4] =	sst s6  }
0xf: {  	[smem:$0x3FB5] =	sst s7  }
0x10: {  	[smem:$0x3FB6] =	sst s8  }
0x11: {  	[smem:$0x3FB7] =	sst s9;
	s0 =	simm.s32 @!p0 $0x0  }
0x12: {  	s1 =	sld [smem:$0x3F9D];
	s0 =	simm.s32 @p0 $0x1  }
0x13: {  	[smem:$0x3FB8] =	sst s0;
	s0 =	simm.s32 @!p1 $0x0  }
0x14: {  	s2 =	sld [smem:$0x3F9C];
	s0 =	simm.s32 @p1 $0x1  }
0x15: {  	[smem:$0x3FB9] =	sst s0;
	s0 =	simm.s32 @!p2 $0x0  }
0x16: {  	s3 =	sld [smem:$0x3FDB];
	s0 =	simm.s32 @p2 $0x1  }
0x17: {  	s4 =	simm.s32 $0x1BF5;
	[smem:$0x3FBB] =	sst s0  }
0x18: {  	s0 =	sld [smem:$0x3F9E];
	_ =	swait.ge [sflag:s4], $0x0  }
0x19: {  	s7 =	sld [smem:$0x3F9F]  }
0x1a: {  	s8 =	sadd.s32 $0xFFFFE003, lr  }
0x1b: {  	s9 =	sadd.s32 $0xFFFFFEF7, lr;
	s5 =	simm.s32 $0xFFFFFFFF;
	p2 =	slt.u32 s8, $0xFFFFF086  }
0x1c: {  	p1 =	slt.u32 s9, $0xF7A;
	s5 =	simm.s32 @!p2 $0x0  }
0x1d: {  	s5 =	simm.s32 @p1 $0x1;
	p0 =	seq.s32 s7, s2  }
0x1e: {  	s7 =	smul.u32 @!p0 $0xF7A, s2;
	p2 =	seq.s32 @!p0 s5, $0x0  }
0x1f: {  	s9 =	smul.u32 $0xF7A, s1;
	s8 =	simm.s32 @!p0 $0x1BF5;
	p2 =	por !p2, p0  }
0x20: {  	[sflag:s8] =	ssyncset.s32 @!p0 $0xFFFFF086;
	s6 =	sadd.s32 @!p0 s3, s7;
	s7 =	simm.s32 @!p0 $0x108  }
0x21: {  	s3 =	sadd.s32 s3, s9;
	s6 =	sadd.s32 @!p0 $0x88, s6;
	s7 =	simm.s32 @p2 $0x1082  }
0x22: {  	[simem:s7], [sflag:s8] =	dma.local @!p0 [hbm:s6], $0xF7A  }
0x23: {  	s9 =	sor.u32 $0xD0000000, s2;
	s6 =	simm.s32 $0x108;
	_ =	swait.ge @!p0 [sflag:s8], $0x0  }
0x24: {  	s3 =	sadd.s32 $0x88, s3;
	s6 =	simm.s32 @!p1 $0x1082;
	[sflag:s4] =	ssyncset.s32 $0xFFFFF086  }
0x25: {  	[simem:s6], [sflag:s4] =	dma.local [hbm:s3], $0xF7A  }
0x26: {  	[smem:$0x3F9F] =	sst s1;
	(tag) =	ssettag s2;
	_ =	strace s9  }
0x27: {  	s1 =	sld [smem:$0x3FAF]  }
0x28: {  	s2 =	sld [smem:$0x3FB0]  }
0x29: {  	s4 =	sld [smem:$0x3FB2]  }
0x2a: {  	p0 =	seq.s32 s5, $0x0;
	s5 =	sld [smem:$0x3FB3]  }
0x2b: {  	s6 =	sld [smem:$0x3FB4]  }
0x2c: {  	s7 =	sld [smem:$0x3FB5]  }
0x2d: {  	s3 =	simm.s32 $0x108;
	s8 =	sld [smem:$0x3FB6]  }
0x2e: {  	s3 =	simm.s32 @!p0 $0x1082;
	s9 =	sld [smem:$0x3FB7]  }
0x2f: {  	lr =	sadd.s32 s0, s3;
	s0 =	sld [smem:$0x3FAE]  }
0x30: {  	s3 =	sld [smem:$0x3FB1]  }
0x31: {  	[smem:$0x3FBA] =	sst s10  }
0x32: {  	s10 =	sld [smem:$0x3FB8];
	_ =	sdelay $0x3  }
0x33: {  	p0 =	seq.s32 s10, $0x1;
	s10 =	sld [smem:$0x3FBA];
	_ =	sdelay $0x3  }
0x34: {  	[smem:$0x3FBA] =	sst s10  }
0x35: {  	s10 =	sld [smem:$0x3FB9];
	_ =	sdelay $0x3  }
0x36: {  	p1 =	seq.s32 s10, $0x1;
	s10 =	sld [smem:$0x3FBA];
	_ =	sdelay $0x3  }
0x37: {  	[smem:$0x3FBA] =	sst s10  }
0x38: {  	s10 =	sld [smem:$0x3FBB]  }
0x39: {  	_ = 	snop;
	(pc) =	sbr.ind lr, $3  }
0x3a: {  	_ = 	snop  }
0x3b: {  	_ = 	snop  }
0x3c: {  	p2 =	seq.s32 s10, $0x1;
	s10 =	sld [smem:$0x3FBA]  }
0x3d: {  	_ =	shalt  }
0x3e: {  	_ =	shalt  }
0x3f: {  	_ =	shalt  }
0x40: {  	_ =	shalt  }
0x41: {  	_ =	shalt  }
0x42: {  	_ =	shalt  }
0x43: {  	_ =	shalt  }
0x44: {  	_ =	shalt  }
0x45: {  	_ =	shalt  }
0x46: {  	_ =	shalt  }
0x47: {  	_ =	shalt  }
0x48: {  	_ =	shalt  }
0x49: {  	_ =	shalt  }
0x4a: {  	_ =	shalt  }
0x4b: {  	_ =	shalt  }
0x4c: {  	_ =	shalt  }
0x4d: {  	_ =	shalt  }
0x4e: {  	_ =	shalt  }
0x4f: {  	_ =	shalt  }
0x50: {  	_ =	shalt  }
0x51: {  	_ =	shalt  }
0x52: {  	_ =	shalt  }
0x53: {  	_ =	shalt  }
0x54: {  	_ =	shalt  }
0x55: {  	_ =	shalt  }
0x56: {  	_ =	shalt  }
0x57: {  	_ =	shalt  }
0x58: {  	_ =	shalt  }
0x59: {  	_ =	shalt  }
0x5a: {  	_ =	shalt  }
0x5b: {  	_ =	shalt  }
0x5c: {  	_ =	shalt  }
0x5d: {  	_ =	shalt  }
0x5e: {  	_ =	shalt  }
0x5f: {  	_ =	shalt  }
0x60: {  	_ =	shalt  }
0x61: {  	_ =	shalt  }
0x62: {  	_ =	shalt  }
0x63: {  	_ =	shalt  }
0x64: {  	_ =	shalt  }
0x65: {  	_ =	shalt  }
0x66: {  	_ =	shalt  }
0x67: {  	_ =	shalt  }
0x68: {  	_ =	shalt  }
0x69: {  	_ =	shalt  }
0x6a: {  	_ =	shalt  }
0x6b: {  	_ =	shalt  }
0x6c: {  	_ =	shalt  }
0x6d: {  	_ =	shalt  }
0x6e: {  	_ =	shalt  }
0x6f: {  	_ =	shalt  }
0x70: {  	_ =	shalt  }
0x71: {  	_ =	shalt  }
0x72: {  	_ =	shalt  }
0x73: {  	_ =	shalt  }
0x74: {  	_ =	shalt  }
0x75: {  	_ =	shalt  }
0x76: {  	_ =	shalt  }
0x77: {  	_ =	shalt  }
0x78: {  	_ =	shalt  }
0x79: {  	_ =	shalt  }
0x7a: {  	_ =	shalt  }
0x7b: {  	_ =	shalt  }
0x7c: {  	_ =	shalt  }
0x7d: {  	_ =	shalt  }
0x7e: {  	_ =	shalt  }
0x7f: {  	_ =	shalt  }
0x80: {  	_ =	shalt  }
0x81: {  	_ =	shalt  }
0x82: {  	_ =	shalt  }
0x83: {  	_ =	shalt  }
0x84: {  	_ =	shalt  }
0x85: {  	_ =	shalt  }
0x86: {  	_ =	shalt  }
0x87: {  	_ =	shalt  }
.Lfunc_end0:
.L_simem_size_0:
called_computation.1_lowered:
.L_overlay_start_0:
0x88: {  	s2 =	sld [smem:$0x3FD9]  }
0x89: {  	s3 =	sld [smem:$0x3FFE];
	_ =	sdelay $0x1  }
0x8a: {  	s1 =	srdreg.scid  }
0x8b: {  	s0 =	sand.u32 $0x1, s1  }
0x8c: {  	s17 =	sshll.u32 s0, $0xA;
	s2 =	sadd.s32 s3, s2  }
0x8d: {  	s2 =	sadd.s32 s2, s17  }
0x8e: {  	[smem:$0x3FC6] =	sst s2  }
0x8f: {  	_ = 	snop  }
0x90: {  	s2 =	sld [smem:$0x3FD0];
	(tm) =	ssettm $0x1  }
0x91: {  	s18 =	sld [smem:$0x3FFB];
	_ =	sdelay $0x3  }
0x92: {  	_ =	strace s18  }
0x93: {  	s3 =	sld [smem:$0x3FFC];
	_ =	sdelay $0x3  }
0x94: {  	_ =	strace s3  }
0x95: {  	s3 =	sld [smem:$0x3FFD];
	_ =	sdelay $0x3  }
0x96: {  	_ =	strace s3  }
0x97: {  	_ =	strace $0x8FFFFFFF  }
0x98: {  	s19 =	sld [smem:$0x3FDB];
	_ =	sdelay $0x1  }
0x99: {  	s4 =	simm.s32 $_scs_section_size  }
0x9a: {  	s5 =	simm.s32 $_size__tile_overlayer_lowered;
	s6 =	simm.s32 $_tile_overlayer_lowered  }
0x9b: {  	s22 =	simm.s32 $0x1BFF;
	s21 =	sshll.u32 s6, $0x1;
	s3 =	sadd.s32 s4, s19  }
0x9c: {  	s7 =	simm.s32 $0x0;
	s20 =	sshll.u32 s5, $0x1;
	s5 =	sadd.s32 s21, s3  }
0x9d: {  	[timem:s7], [sflag:s22] =	dma.local [hbm:s5], s20  }
0x9e: {  	_ =	swait.ge [sflag:s22], s20  }
0x9f: {  	s4 =	ssub.s32 $0x0, s20;
	[sflag:s22] =	ssyncset.done $0x0  }
0xa0: {  	[sflag:s22] =	ssyncadd.s32 s4;
	_ =	sdelay $0x1  }
0xa1: {  	s23 =	simm.s32 $0x1B8B  }
0xa2: {  	_ =	swait.ge [sflag:s23], $0x1  }
0xa3: {  	[sflag:s23] =	ssyncset.done $0x0  }
0xa4: {  	s25 =	simm.s32 $0x1B8E;
	s24 =	sld [smem:$0x3FFE];
	[sflag:s23] =	ssyncadd.s32 $0xFFFFFFFF  }
0xa5: {  	s26 =	simm.s32 $execute0_lowered;
	[smem:$0x3FD2] =	sst s25  }
0xa6: {  	s5 =	sshll.u32 s26, $0x1;
	_ =	strace $0x80000046;
	[dreg:$0x1] =	wrdreg $0xFFFFFFFF  }
0xa7: {  	s28 =	simm.s32 $_size_execute0_lowered;
	s3 =	sadd.s32 s3, s5;
	[dreg:$0x0] =	wrdreg $0x0  }
0xa8: {  	s5 =	sshll.u32 s28, $0x1;
	[dreg:$0x2] =	wrdreg s3  }
0xa9: {  	[dreg:$0x3] =	wrdreg s5  }
0xaa: {  	[dreg:$0x4] =	wrdreg $0xC0  }
0xab: {  	_ =	task [dreg:s7], $0x5FFFF  }
0xac: {  	[dreg:$0x1] =	wrdreg $0xFFFFFFFF  }
0xad: {  	[dreg:$0x0] =	wrdreg $0x60  }
0xae: {  	[dreg:$0x2] =	wrdreg s24  }
0xaf: {  	[dreg:$0x3] =	wrdreg s2  }
0xb0: {  	[dreg:$0x4] =	wrdreg $0x9  }
0xb1: {  	_ =	task.clear_ibuf [dreg:s7], $0x5FFFF;
	_ =	strace $0x90000046  }
0xb2: {  	s29 =	simm.s32 $0x9;
	_ =	strace $0x80000048  }
0xb3: {  	_ =	swait.ge [sflag:s29], $0x1  }
0xb4: {  	[sflag:s29] =	ssyncadd.s32 $0xFFFFFFFF  }
0xb5: {  	_ =	strace $0x90000048  }
0xb6: {  	_ =	sfence  }
0xb7: {  	s30 =	sld [smem:$0x0];
	_ =	sdelay $0x2  }
0xb8: {  	s31 =	sshll.u32 s1, $0xD;
	s1 =	sshrl.u32 s1, $0x2  }
0xb9: {  	s3 =	sand.u32 $0x4000, s31;
	s1 =	sadd.s32 s1, s30  }
0xba: {  	s0 =	sor.u32 s3, s0;
	s1 =	sshll.u32 s1, $0x11  }
0xbb: {  	s0 =	sor.u32 s1, s0  }
0xbc: {  	s0 =	sadd.s32 $0x8F2B, s0  }
0xbd: {  	[sflag:s0] =	ssyncadd.remote.s32 $0x1  }
0xbe: {  	_ =	sfence.sel $0xFFFF  }
0xbf: {  	[dreg:$0x0] =	wrdreg $0xFFFFFFFF;
	(pc) =	sbr.abs _section_cstart, $3  }
0xc0: {  	[dreg:$0x1] =	wrdreg $0xFFFFFFFF  }
0xc1: {  	_ =	task.clear_ibuf [dreg:s7], $0x2FFFF;
	_ =	strace $0x9FFFFFFF  }
0xc2: {  	(tm) =	ssettm $0x7FFFFFFF  }
0xc3: {  	_ =	shalt  }
tec
execute0_lowered:
.L_overlay_start_1:
0x0: {  	(tag) =	ssettag $0x1  }
0x1: {  	s5 =	rddreg [dreg:$0x0]  }
0x2: {  	s2 =	rddreg [dreg:$0x1]  }
0x3: {  	s4 =	srdreg.scid;
	s0 =	stileid.u32;
	s3 =	simm.s32 $0x0  }
0x4: {  	s16 =	simm.s32 $0x3;
	s17 =	simm.s32 $0x80;
	s18 =	simm.s32 $0x2  }
0x5: {  	s20 =	simm.s32 $0x8800;
	s21 =	simm.s32 $0xA800;
	s22 =	simm.s32 $0xC800  }
0x6: {  	s23 =	simm.s32 $0xE800;
	s24 =	simm.s32 $0x10800;
	s25 =	simm.s32 $0x0  }
0x7: {  	s7 =	sand.u32 $0x1, s4;
	s30 =	sshll.u32 s0, $0x1;
	s12 =	smul.u32 $0x640, s0  }
0x8: {  	[smem:$0x7FF] =	sst s3;
	s6 =	sor.u32 s7, s30;
	s15 =	smul.u32 $0x320, s7  }
0x9: {  	s4 =	sadd.s32 $0x800, s5;
	s9 =	ssub.s32 $0x2, s7;
	s8 =	smul.u32 $0x320, s6  }
0xa: {  	s5 =	sadd.s32 $0x64800, s5;
	s10 =	smul.u32 $0x640000, s6;
	s11 =	sshrl.u32 s9, $0x1  }
0xb: {  	_ =	strace $0x80000047;
	s6 =	smul.u32 $0x3200, s6;
	s14 =	ssub.s32 s9, s11  }
.Ltmp0:
0xc: {  	s15 =	sadd.s32 s15, s12;
	s31 =	sshrl.u32 s10, $0x3;
	(pc) =	sbr.rel .LBB2_1-.Ltmp0, $4  }
0xd: {  	s6 =	sadd.s32 s4, s6;
	s7 =	sadd.s32 $0x28, s8;
	s15 =	sshll.u32 s15, $0xA  }
0xe: {  	s14 =	smax.u32 s14, $0x1;
	s13 =	sadd.s32 s2, s31;
	s15 =	sadd.s32 $0xFFFFE800, s15  }
0xf: {  	s8 =	sadd.s32 $0xC6800, s13;
	s9 =	sadd.s32 $0xC6C00, s13;
	s10 =	sadd.s32 $0xC7000, s13  }
0x10: {  	s11 =	sadd.s32 $0xC7400, s13;
	s12 =	sadd.s32 $0xC7800, s13;
	s13 =	sadd.s32 $0xC7C00, s13  }
.LBB2_7:
0x11: {  	_ =	swait.ge [sflag:s18], $0x2000  }
0x12: {  	[sflag:s18] =	ssyncset.done $0x0  }
0x13: {  	s0 =	simm.s32 $0x6800;
	[sflag:s18] =	ssyncadd.s32 $0xFFFFE000  }
0x14: {  	[hbm4b:s8+s3] =	stream.linear.scatter [tilespmem:s0], [sflag:$0x3], $0x2000, $0x38;
	[tilespmem:$0x1A800] =	vst v63  }
0x15: {  	_ =	swait.ge [sflag:s18], $0x2000  }
0x16: {  	[sflag:s18] =	ssyncset.done $0x0  }
0x17: {  	[sflag:s18] =	ssyncadd.s32 $0xFFFFE000  }
0x18: {  	[hbm4b:s9+s3] =	stream.linear.scatter [tilespmem:s20], [sflag:$0x3], $0x2000, $0x38;
	[tilespmem:$0x1A800] =	vst v63  }
0x19: {  	_ =	swait.ge [sflag:s18], $0x2000  }
0x1a: {  	[sflag:s18] =	ssyncset.done $0x0  }
0x1b: {  	[sflag:s18] =	ssyncadd.s32 $0xFFFFE000  }
0x1c: {  	[hbm4b:s10+s3] =	stream.linear.scatter [tilespmem:s21], [sflag:$0x3], $0x2000, $0x38;
	[tilespmem:$0x1A800] =	vst v63  }
0x1d: {  	_ =	swait.ge [sflag:s18], $0x2000  }
0x1e: {  	[sflag:s18] =	ssyncset.done $0x0  }
0x1f: {  	[sflag:s18] =	ssyncadd.s32 $0xFFFFE000  }
0x20: {  	[hbm4b:s11+s3] =	stream.linear.scatter [tilespmem:s22], [sflag:$0x3], $0x2000, $0x38;
	[tilespmem:$0x1A800] =	vst v63  }
0x21: {  	_ =	swait.ge [sflag:s18], $0x2000  }
0x22: {  	[sflag:s18] =	ssyncset.done $0x0  }
0x23: {  	[sflag:s18] =	ssyncadd.s32 $0xFFFFE000  }
0x24: {  	[hbm4b:s12+s3] =	stream.linear.scatter [tilespmem:s23], [sflag:$0x3], $0x2000, $0x38;
	[tilespmem:$0x1A800] =	vst v63  }
0x25: {  	_ =	swait.ge [sflag:s18], $0x2000  }
0x26: {  	[sflag:s18] =	ssyncset.done $0x0  }
0x27: {  	[sflag:s18] =	ssyncadd.s32 $0xFFFFE000  }
0x28: {  	[hbm4b:s13+s3] =	stream.linear.scatter [tilespmem:s24], [sflag:$0x3], $0x2000, $0x38;
	[tilespmem:$0x1A800] =	vst v63  }
0x29: {  	_ =	swait.ge [sflag:s16], $0x2000  }
0x2a: {  	[sflag:s16] =	ssyncset.done $0x0  }
0x2b: {  	[sflag:s16] =	ssyncadd.s32 $0xFFFFE000  }
0x2c: {  	_ =	swait.ge [sflag:s16], $0x2000  }
0x2d: {  	[sflag:s16] =	ssyncset.done $0x0  }
0x2e: {  	[sflag:s16] =	ssyncadd.s32 $0xFFFFE000  }
0x2f: {  	_ =	swait.ge [sflag:s16], $0x2000  }
0x30: {  	[sflag:s16] =	ssyncset.done $0x0  }
0x31: {  	[sflag:s16] =	ssyncadd.s32 $0xFFFFE000  }
0x32: {  	_ =	swait.ge [sflag:s16], $0x2000  }
0x33: {  	[sflag:s16] =	ssyncset.done $0x0  }
0x34: {  	[sflag:s16] =	ssyncadd.s32 $0xFFFFE000  }
0x35: {  	_ =	swait.ge [sflag:s16], $0x2000  }
0x36: {  	[sflag:s16] =	ssyncset.done $0x0  }
0x37: {  	[sflag:s16] =	ssyncadd.s32 $0xFFFFE000  }
0x38: {  	_ =	swait.ge [sflag:s16], $0x2000  }
0x39: {  	[sflag:s16] =	ssyncset.done $0x0  }
0x3a: {  	[sflag:s16] =	ssyncadd.s32 $0xFFFFE000  }
0x3b: {  	_ =	swait.ge [sflag:s16], $0x2000  }
0x3c: {  	[sflag:s16] =	ssyncset.done $0x0  }
0x3d: {  	[sflag:s16] =	ssyncadd.s32 $0xFFFFE000  }
0x3e: {  	_ =	swait.ge [sflag:s16], $0x2000  }
0x3f: {  	[sflag:s16] =	ssyncset.done $0x0  }
0x40: {  	[sflag:s16] =	ssyncadd.s32 $0xFFFFE000  }
0x41: {  	_ =	swait.ge [sflag:s16], $0x2000  }
0x42: {  	[sflag:s16] =	ssyncset.done $0x0  }
0x43: {  	[sflag:s16] =	ssyncadd.s32 $0xFFFFE000  }
0x44: {  	_ =	swait.ge [sflag:s16], $0x2000  }
0x45: {  	[sflag:s16] =	ssyncset.done $0x0  }
0x46: {  	s25 =	sadd.s32 $0x1, s25;
	[sflag:s16] =	ssyncadd.s32 $0xFFFFE000  }
0x47: {  	p0 =	sne.s32 s25, s14;
	_ =	swait.ge [sflag:s16], $0x2000  }
.Ltmp1:
0x48: {  	[sflag:s16] =	ssyncset.done $0x0;
	(pc) =	sbr.rel @!p0 .LBB2_8-.Ltmp1, $4  }
0x49: {  	[sflag:s16] =	ssyncadd.s32 $0xFFFFE000  }
0x4a: {  	_ =	swait.ge [sflag:s16], $0x2000  }
0x4b: {  	[sflag:s16] =	ssyncset.done $0x0  }
0x4c: {  	[sflag:s16] =	ssyncadd.s32 $0xFFFFE000  }
.LBB2_1:
.Ltmp2:
0x4d: {  	(pc) =	sbr.rel .LBB2_2-.Ltmp2, $3  }
0x4e: {  	_ =	sdelay $0x1  }
0x4f: {  	[tilespmem:s3], [sflag:$0x1] =	stream.linear.gather [hbm4b:s6+s3], $0x1400, $0x38;
	[tilespmem:$0x1A800] =	vst v63  }
0x50: {  	s26 =	smov.u32 s15;
	s28 =	simm.s32 $0x0  }
.LBB2_3:
0x51: {  	_ =	swait.ge [sflag:s16], $0x2000  }
0x52: {  	s0 =	sshrl.u32 s0, $0x2;
	s1 =	sshll.u32 s29, $0x7;
	[sflag:s16] =	ssyncset.done $0x0  }
0x53: {  	s0 =	sadd.s32 s1, s0;
	[sflag:s16] =	ssyncadd.s32 $0xFFFFE000  }
0x54: {  	[tilespmem:s31], [sflag:$0x2] =	stream.indirect.gather [hbm4b:s5+s17], $0x40, s0, s17, $0xb8;
	[tilespmem:$0x1A800] =	vst v63  }
.LBB2_5:
0x55: {  	s0 =	sadd.s32 $0xFFFFFFFA, s28  }
0x56: {  	s1 =	sand.u32 $0xFFFF, s0  }
0x57: {  	s1 =	smul.u32 $0xAAAB, s1;
	_ =	sdelay $0x1  }
0x58: {  	s1 =	sshrl.u32 s1, $0x13  }
0x59: {  	s1 =	smul.u32 $0xC, s1;
	_ =	sdelay $0x1  }
0x5a: {  	s0 =	ssub.s32 s0, s1  }
0x5b: {  	_ =	swait.ge [sflag:s18], $0x2000;
	s0 =	sand.u32 $0xFFFF, s0  }
0x5c: {  	s31 =	sand.u32 $0x1FFFFC00, s26;
	[sflag:s18] =	ssyncset.done $0x0;
	s0 =	sshll.u32 s0, $0xD  }
0x5d: {  	[sflag:s18] =	ssyncadd.s32 $0xFFFFE000;
	s1 =	sadd.s32 s2, s31;
	s0 =	sadd.s32 $0x2800, s0  }
0x5e: {  	[hbm4b:s1+s3] =	stream.linear.scatter [tilespmem:s0], [sflag:$0x3], $0x2000, $0x38;
	[tilespmem:$0x1A800] =	vst v63  }
.LBB2_6:
0x5f: {  	s28 =	sadd.s32 $0x1, s28  }
0x60: {  	p0 =	sne.s32 s28, $0x320  }
.Ltmp3:
0x61: {  	_ = 	snop;
	(pc) =	sbr.rel @!p0 .LBB2_7-.Ltmp3, $2  }
0x62: {  	_ =	sdelay $0x2  }
0x63: {  	s26 =	sadd.s32 $0x400, s26  }
.LBB2_2:
0x64: {  	s29 =	smul.u32 $0xCCCD, s28;
	_ =	sdelay $0x1  }
0x65: {  	s30 =	sshrl.u32 s29, $0x15  }
0x66: {  	s29 =	smul.u32 $0x28, s30;
	_ =	sdelay $0x1  }
0x67: {  	s31 =	ssub.s32 s28, s29  }
0x68: {  	s29 =	sand.u32 $0xFFFF, s31  }
0x69: {  	p0 =	sne.s32 s29, $0x0  }
0x6a: {  	p1 =	sgt.u32 @p0 s28, $0x2F7  }
0x6b: {  	p2 =	por p1, !p0  }
0x6c: {  	s31 =	sand.u32 @!p2 $0xFFFF, s31  }
0x6d: {  	p2 =	sne.s32 @!p2 s31, $0x6  }
0x6e: {  	p1 =	por @p0 p2, p1  }
0x6f: {  	p1 =	por p1, !p0  }
0x70: {  	s31 =	smul.u32 @!p1 $0x28, s30  }
0x71: {  	s30 =	sand.u32 $0x1, s30  }
0x72: {  	s0 =	smul.u32 $0xAAAB, s28;
	s1 =	sxor.u32 @!p1 $0x1, s30;
	s31 =	sadd.s32 @!p1 s31, s7  }
0x73: {  	s1 =	smul.u32 @!p1 $0x5000, s1;
	s31 =	sshll.u32 @!p1 s31, $0x4  }
0x74: {  	s0 =	sshrl.u32 s0, $0x13;
	s31 =	sand.u32 @!p1 $0x3FFF80, s31  }
0x75: {  	s19 =	simm.s32 @!p1 $0x0;
	s1 =	sshrl.u32 @!p1 s1, $0x2;
	s31 =	sadd.s32 @!p1 s4, s31  }
0x76: {  	[tilespmem:s1], [sflag:$0x1] =	stream.linear.gather @!p1 [hbm4b:s31+s19], $0x1400, $0x38;
	[tilespmem:$0x1A800] =	vst v63  }
0x77: {  	s0 =	smul.u32 $0xC, s0;
	p1 =	slt.u32 s28, $0xC  }
.Ltmp4:
0x78: {  	_ = 	snop;
	(pc) =	sbr.rel @!p1 .LBB2_3-.Ltmp4, $4  }
0x79: {  	s0 =	ssub.s32 s28, s0;
	s1 =	simm.s32 @!p0 $0x1  }
0x7a: {  	s0 =	sand.u32 $0xFFFF, s0;
	_ =	swait.ge @!p0 [sflag:s1], $0x1400  }
0x7b: {  	s0 =	sshll.u32 s0, $0xD;
	[sflag:s1] =	ssyncset.done @!p0 $0x0  }
0x7c: {  	s31 =	sadd.s32 $0x2800, s0;
	s0 =	smul.u32 $0x5000, s30;
	[sflag:s1] =	ssyncadd.s32 @!p0 $0xFFFFEC00  }
0x7d: {  	p0 =	slt.u32 s28, $0x6  }
.Ltmp5:
0x7e: {  	_ = 	snop;
	(pc) =	sbr.rel @p0 .LBB2_6-.Ltmp5, $4  }
.Ltmp6:
0x7f: {  	_ = 	snop;
	(pc) =	sbr.rel @!p0 .LBB2_5-.Ltmp6, $4  }
0x80: {  	s1 =	sshll.u32 s29, $0x7;
	s0 =	sshrl.u32 s0, $0x2  }
0x81: {  	s0 =	sadd.s32 s1, s0  }
0x82: {  	[tilespmem:s31], [sflag:$0x2] =	stream.indirect.gather [hbm4b:s5+s17], $0x40, s0, s17, $0xb8;
	[tilespmem:$0x1A800] =	vst v63  }
0x83: {  	_ = 	snop  }
.LBB2_8:
0x84: {  	_ =	sfence.sel $0x180000  }
0x85: {  	[bflag:$0x0] =	sbarrier.arrive $0xFFFF  }
0x86: {  	_ =	strace $0x90000047  }
0x87: {  	s0 =	stileid.u32;
	[bflag:$0x2] =	sbarrier.arrive $0xFFFF  }
0x88: {  	p0 =	sne.s32 s0, $0x0;
	s0 =	rddreg [dreg:$0x2]  }
0x89: {  	s0 =	sadd.s32 @!p0 $0x100000, s0  }
0x8a: {  	[sflag:s0] =	ssyncadd.tile.s32 @!p0 $0x1;
	_ =	shalt  }
.Lfunc_end2:
_tile_overlayer_lowered:
.L_overlay_start_2:
0x8b: {  	(tag) =	ssettag $0x2  }
0x8c: {  	s0 =	rddreg [dreg:$0x0];
	s2 =	stileid.u32  }
0x8d: {  	s1 =	rddreg [dreg:$0x1];
	p0 =	sne.s32 s2, $0x0  }
0x8e: {  	s3 =	rddreg [dreg:$0x2];
	[bflag:$0x3] =	sbarrier.arrive $0xFFFF;
	s2 =	simm.s32 @!p0 $0x1C04  }
0x8f: {  	[timem:s3], [sflag:s2] =	dma.local @!p0 [hbm:s0], s1  }
0x90: {  	s0 =	simm.s32 @!p0 $0x4  }
0x91: {  	_ =	swait.ge @!p0 [sflag:s0], s1  }
0x92: {  	s1 =	ssub.s32 @!p0 $0x0, s1;
	[sflag:s0] =	ssyncset.done @!p0 $0x0  }
0x93: {  	[sflag:s0] =	ssyncadd.s32 @!p0 s1  }
0x94: {  	[bflag:$0x3] =	sbarrier.arrive $0xFFFF  }
0x95: {  	_ =	shalt  }

// kernel: sparse-core-data-format-call.cloned.1.call-start
scs
called_computation_lowered:
.L_overlay_start_0:
0x0: {  	s2 =	sld [smem:$0x3FD9]  }
0x1: {  	s3 =	sld [smem:$0x3FFE];
	_ =	sdelay $0x1  }
0x2: {  	s1 =	srdreg.scid  }
0x3: {  	s0 =	sand.u32 $0x1, s1  }
0x4: {  	s18 =	sshll.u32 s0, $0xA;
	s2 =	sadd.s32 s3, s2  }
0x5: {  	s2 =	sadd.s32 s2, s18  }
0x6: {  	[smem:$0x3FC6] =	sst s2  }
0x7: {  	_ = 	snop  }
0x8: {  	s2 =	sld [smem:$0x3FD0];
	(tm) =	ssettm $0x1  }
0x9: {  	s19 =	sld [smem:$0x3FFB];
	_ =	sdelay $0x3  }
0xa: {  	_ =	strace s19  }
0xb: {  	s3 =	sld [smem:$0x3FFC];
	_ =	sdelay $0x3  }
0xc: {  	_ =	strace s3  }
0xd: {  	s3 =	sld [smem:$0x3FFD];
	_ =	sdelay $0x3  }
0xe: {  	_ =	strace s3  }
0xf: {  	_ =	strace $0x8FFFFFFF  }
0x10: {  	s20 =	sld [smem:$0x3FDB];
	_ =	sdelay $0x1  }
0x11: {  	s4 =	simm.s32 $_scs_section_size  }
0x12: {  	s5 =	simm.s32 $_size__tile_overlayer_lowered;
	s6 =	simm.s32 $_tile_overlayer_lowered  }
0x13: {  	s23 =	simm.s32 $0x1BFF;
	s22 =	sshll.u32 s6, $0x1;
	s3 =	sadd.s32 s4, s20  }
0x14: {  	s7 =	simm.s32 $0x0;
	s21 =	sshll.u32 s5, $0x1;
	s5 =	sadd.s32 s22, s3  }
0x15: {  	[timem:s7], [sflag:s23] =	dma.local [hbm:s5], s21  }
0x16: {  	_ =	swait.ge [sflag:s23], s21  }
0x17: {  	s4 =	ssub.s32 $0x0, s21;
	[sflag:s23] =	ssyncset.done $0x0  }
0x18: {  	[sflag:s23] =	ssyncadd.s32 s4;
	_ =	sdelay $0x1  }
0x19: {  	s24 =	simm.s32 $0x1B8B  }
0x1a: {  	_ =	swait.ge [sflag:s24], $0x1  }
0x1b: {  	[sflag:s24] =	ssyncset.done $0x0  }
0x1c: {  	s26 =	simm.s32 $0x1B8E;
	s25 =	sld [smem:$0x3FFE];
	[sflag:s24] =	ssyncadd.s32 $0xFFFFFFFF  }
0x1d: {  	s27 =	simm.s32 $execute0_lowered;
	[smem:$0x3FD2] =	sst s26  }
0x1e: {  	s5 =	sshll.u32 s27, $0x1;
	_ =	strace $0x80000049;
	[dreg:$0x1] =	wrdreg $0xFFFFFFFF  }
0x1f: {  	s28 =	simm.s32 $_size_execute0_lowered;
	s3 =	sadd.s32 s3, s5;
	[dreg:$0x0] =	wrdreg $0x0  }
0x20: {  	s5 =	sshll.u32 s28, $0x1;
	[dreg:$0x2] =	wrdreg s3  }
0x21: {  	[dreg:$0x3] =	wrdreg s5  }
0x22: {  	[dreg:$0x4] =	wrdreg $0xC0  }
0x23: {  	_ =	task [dreg:s7], $0x5FFFF  }
0x24: {  	[dreg:$0x1] =	wrdreg $0xFFFFFFFF  }
0x25: {  	[dreg:$0x0] =	wrdreg $0x60  }
0x26: {  	[dreg:$0x2] =	wrdreg s25  }
0x27: {  	[dreg:$0x3] =	wrdreg s2  }
0x28: {  	[dreg:$0x4] =	wrdreg $0x9  }
0x29: {  	_ =	task.clear_ibuf [dreg:s7], $0x5FFFF;
	_ =	strace $0x90000049  }
0x2a: {  	s29 =	simm.s32 $0x9;
	_ =	strace $0x8000004B  }
0x2b: {  	_ =	swait.ge [sflag:s29], $0x1  }
0x2c: {  	[sflag:s29] =	ssyncadd.s32 $0xFFFFFFFF  }
0x2d: {  	_ =	strace $0x9000004B  }
0x2e: {  	_ =	sfence  }
0x2f: {  	s30 =	sld [smem:$0x0];
	_ =	sdelay $0x2  }
0x30: {  	s31 =	sshll.u32 s1, $0xD;
	s1 =	sshrl.u32 s1, $0x2  }
0x31: {  	s3 =	sand.u32 $0x4000, s31;
	s1 =	sadd.s32 s1, s30  }
0x32: {  	s0 =	sor.u32 s3, s0;
	s1 =	sshll.u32 s1, $0x11  }
0x33: {  	s0 =	sor.u32 s1, s0  }
0x34: {  	s0 =	sadd.s32 $0x8F2B, s0  }
0x35: {  	[sflag:s0] =	ssyncadd.remote.s32 $0x1  }
0x36: {  	_ =	sfence.sel $0xFFFF  }
0x37: {  	[dreg:$0x0] =	wrdreg $0xFFFFFFFF;
	(pc) =	sbr.abs _section_cstart, $3  }
0x38: {  	[dreg:$0x1] =	wrdreg $0xFFFFFFFF  }
0x39: {  	_ =	task.clear_ibuf [dreg:s7], $0x2FFFF;
	_ =	strace $0x9FFFFFFF  }
0x3a: {  	(tm) =	ssettm $0x7FFFFFFF  }
0x3b: {  	_ =	shalt  }
tec
execute0_lowered:
.L_overlay_start_1:
0x0: {  	(tag) =	ssettag $0x1  }
0x1: {  	s0 =	srdreg.scid  }
0x2: {  	s1 =	sshll.u32 s0, $0x4  }
0x3: {  	s0 =	stileid.u32;
	s1 =	sand.u32 $0x10, s1  }
0x4: {  	s1 =	sor.u32 s0, s1  }
0x5: {  	s6 =	rddreg [dreg:$0x0];
	s4 =	simm.s32 $0x1;
	s2 =	sshll.u32 s1, $0x7  }
0x6: {  	s7 =	simm.s32 $0x2;
	s12 =	simm.s32 $0x0;
	s1 =	ssub.s32 $0x4000, s2  }
0x7: {  	s8 =	simm.s32 $0x20000;
	s13 =	simm.s32 $0x0;
	s3 =	sand.u32 $0xF80, s1  }
0x8: {  	s9 =	simm.s32 $0x0;
	s5 =	sshrl.u32 s1, $0xC;
	p0 =	sne.s32 s3, $0x0  }
.Ltmp0:
0x9: {  	s1 =	rddreg [dreg:$0x2];
	s4 =	simm.s32 @!p0 $0x0;
	(pc) =	sbr.rel .LBB1_1-.Ltmp0, $4  }
0xa: {  	s11 =	simm.s32 $0x0;
	s3 =	rddreg [dreg:$0x1];
	s5 =	sadd.s32 s4, s5  }
0xb: {  	_ =	strace $0x8000004A;
	s4 =	simm.s32 $0x1;
	s5 =	smul.u32 $0xC8, s5  }
0xc: {  	s6 =	sadd.s32 $0x800, s6;
	s10 =	smov.u32 s2;
	[sflag:s4] =	ssyncpa.u1 $0x0  }
0xd: {  	p0 =	por $0x0, $0x0;
	[sflag:s7] =	ssyncpa.u1 $0x0;
	s7 =	sor.u32 $0x1, s5  }
.LBB1_4:
0xe: {  	s16 =	sshll.u32 s13, $0x3;
	s17 =	sand.u32 $0x78, s13  }
0xf: {  	s30 =	sand.u32 $0x1F800, s13;
	s12 =	sshll.u32 s12, $0x11;
	s16 =	sand.u32 $0x3C00, s16  }
0x10: {  	[tilespmem:s15+$0x810 ss:$0x81] =	vst.msk $0xffff, v2;
	s31 =	sand.u32 $0x7, s13;
	s16 =	sor.u32 s17, s16;
	s17 =	sadd.s32 s3, s30  }
0x11: {  	[tilespmem:s15+$0x1020 ss:$0x81] =	vst.msk $0xffff, v0;
	s13 =	sshll.u32 s31, $0x12;
	s12 =	sadd.s32 s12, s17;
	s16 =	sshrl.u32 s16, $0x3  }
0x12: {  	[tilespmem:s15+$0x0 ss:$0x81] =	vst.msk $0xffff, v1;
	s13 =	sor.u32 $0x400, s13;
	s12 =	sadd.s32 s16, s12  }
0x13: {  	[hbm4b:s12+s13] =	stream.strided.scatter [tilespmem:s14], [sflag:$0x2], $0x2000, s8, s13, $0x20;
	[tilespmem:$0x8080] =	vst v63  }
.LBB1_5:
0x14: {  	s14 =	sadd.s32 $0x1, s9  }
0x15: {  	s12 =	sadd.s32 $0x1000, s10;
	s16 =	smov.u32 s10;
	p2 =	sgt.s32 s14, $0xC7  }
0x16: {  	s16 =	smov.u32 @p2 s12  }
0x17: {  	s14 =	simm.s32 @p2 $0x0;
	p2 =	sgt.s32 s16, $0x3FFF  }
0x18: {  	s16 =	smov.u32 @p2 s2;
	p2 =	sne.s32 s11, s7  }
.Ltmp1:
0x19: {  	p1 =	slt.u32 s11, $0x2;
	(pc) =	sbr.rel @!p2 .LBB1_6-.Ltmp1, $4  }
0x1a: {  	s15 =	simm.s32 @!p1 $0x2  }
0x1b: {  	s13 =	smov.u32 s10;
	p0 =	por !p0, !p0;
	_ =	swait.ge @!p1 [sflag:s15], $0x2000  }
0x1c: {  	s12 =	smov.u32 s9;
	[sflag:s15] =	ssyncset.done @!p1 $0x0;
	s9 =	smov.u32 s14  }
0x1d: {  	s11 =	sadd.s32 $0x1, s11;
	[sflag:s15] =	ssyncadd.s32 @!p1 $0xFFFFE000;
	s10 =	smov.u32 s16  }
.LBB1_1:
0x1e: {  	p1 =	sge.u32 s11, s5  }
0x1f: {  	s14 =	sand.u32 @!p1 $0x1FFFFFF, s9  }
0x20: {  	s15 =	smulhi.u32 @!p1 $0x147AE15, s14;
	_ =	sdelay $0x1  }
0x21: {  	s15 =	smul.u32 @!p1 $0xC8, s15  }
0x22: {  	s16 =	sxor.u32 @!p1 $0xFFFFFFFF, s11;
	s17 =	smul.u32 @!p1 $0xC80, s10  }
0x23: {  	s31 =	sadd.s32 $0xFFFFFFFF, s11;
	s16 =	sshll.u32 @!p1 s16, $0xD;
	s14 =	ssub.s32 @!p1 s14, s15  }
0x24: {  	s15 =	sand.u32 @!p1 $0x2000, s16;
	s16 =	sadd.s32 @!p1 s6, s17;
	s14 =	sshll.u32 @!p1 s14, $0x4  }
0x25: {  	s17 =	simm.s32 @!p1 $0x6400;
	s14 =	sadd.s32 @!p1 s14, s16;
	s16 =	simm.s32 @!p1 $0x40  }
0x26: {  	[tilespmem:s15], [sflag:$0x1] =	stream.strided.gather @!p1 [hbm4b:s14+s16], $0x2000, s17, s16, $0x38;
	[tilespmem:$0x8080] =	vst v63  }
0x27: {  	p1 =	sge.u32 s31, s5  }
.Ltmp2:
0x28: {  	_ = 	snop;
	(pc) =	sbr.rel @p1 .LBB1_5-.Ltmp2, $1  }
0x29: {  	_ =	sdelay $0x3  }
0x2a: {  	s14 =	simm.s32 $0x1  }
0x2b: {  	_ =	swait.ge [sflag:s4], $0x2000;
	s14 =	simm.s32 @!p0 $0x0  }
0x2c: {  	[sflag:s4] =	ssyncset.done $0x0;
	s15 =	sshll.u32 s14, $0xD  }
0x2d: {  	[sflag:s4] =	ssyncadd.s32 $0xFFFFE000;
	s18 =	sor.u32 $0x20, s15  }
0x2e: {  	s14 =	smul.u32 $0x8100, s14;
	v3 =	vld [tilespmem:s18+$0x10]  }
0x2f: {  	s30 =	sand.u32 $0x1, s11;
	v2 =	vld [tilespmem:s18+$0xFFFFFFF0]  }
0x30: {  	s15 =	smul.u32 $0x8100, s30;
	s14 =	sshrl.u32 s14, $0x2;
	v0 =	vld [tilespmem:s18+$0x0]  }
0x31: {  	v1 =	vld [tilespmem:s18+$0xFFFFFFE0];
	s16 =	sor.u32 $0x4000, s14  }
0x32: {  	s31 =	sshrl.u32 s15, $0x2;
	s15 =	sadd.s32 $0x0, s16  }
0x33: {  	s17 =	simm.s32 $0x4;
	s18 =	sadd.s32 $0x40, s18;
	s14 =	sor.u32 $0x4000, s31;
	[tilespmem:s15+$0x1830 ss:$0x81] =	vst.msk $0xffff, v3  }
.LBB1_3:
0x34: {  	v3 =	vld [tilespmem:s18+$0x10];
	p1 =	sne.s32 s17, $0x1FC;
	[tilespmem:s15+$0x810 ss:$0x81] =	vst.msk $0xffff, v2;
	s19 =	smov.u32 s17;
	s17 =	sadd.s32 $0x4, s17  }
.Ltmp3:
0x35: {  	v2 =	vld [tilespmem:s18+$0xFFFFFFF0];
	[tilespmem:s15+$0x1020 ss:$0x81] =	vst.msk $0xffff, v0;
	(pc) =	sbr.rel @p1 .LBB1_3-.Ltmp3, $4  }
0x36: {  	v0 =	vld [tilespmem:s18+$0x0];
	[tilespmem:s15+$0x0 ss:$0x81] =	vst.msk $0xffff, v1  }
0x37: {  	s15 =	sshra.s32 s19, $0x2;
	v1 =	vld [tilespmem:s18+$0xFFFFFFE0]  }
0x38: {  	s15 =	sadd.s32 s15, s16  }
0x39: {  	s18 =	sadd.s32 $0x40, s18;
	[tilespmem:s15+$0x1830 ss:$0x81] =	vst.msk $0xffff, v3  }
.Ltmp4:
0x3a: {  	_ = 	snop;
	(pc) =	sbr.rel .LBB1_4-.Ltmp4, $1  }
0x3b: {  	_ =	sdelay $0x3  }
.LBB1_6:
0x3c: {  	_ =	sfence.sel $0x180000  }
0x3d: {  	s2 =	simm.s32 $0x1;
	[bflag:$0x0] =	sbarrier.arrive $0xFFFF  }
0x3e: {  	s31 =	simm.s32 $0x2;
	[sflag:s2] =	ssyncpa.u1 $0x1  }
0x3f: {  	[sflag:s31] =	ssyncpa.u1 $0x1  }
0x40: {  	p0 =	sne.s32 s0, $0x0;
	_ =	strace $0x9000004A  }
0x41: {  	s0 =	sadd.s32 @!p0 $0x100000, s1;
	[bflag:$0x2] =	sbarrier.arrive $0xFFFF  }
0x42: {  	[sflag:s0] =	ssyncadd.tile.s32 @!p0 $0x1;
	_ =	shalt  }
.Lfunc_end1:
_tile_overlayer_lowered:
.L_overlay_start_2:
0x43: {  	(tag) =	ssettag $0x2  }
0x44: {  	s0 =	rddreg [dreg:$0x0];
	s2 =	stileid.u32  }
0x45: {  	s1 =	rddreg [dreg:$0x1];
	p0 =	sne.s32 s2, $0x0  }
0x46: {  	s3 =	rddreg [dreg:$0x2];
	[bflag:$0x3] =	sbarrier.arrive $0xFFFF;
	s2 =	simm.s32 @!p0 $0x1C01  }
0x47: {  	[timem:s3], [sflag:s2] =	dma.local @!p0 [hbm:s0], s1  }
0x48: {  	s0 =	simm.s32 @!p0 $0x1  }
0x49: {  	_ =	swait.ge @!p0 [sflag:s0], s1  }
0x4a: {  	s1 =	ssub.s32 @!p0 $0x0, s1;
	[sflag:s0] =	ssyncset.done @!p0 $0x0  }
0x4b: {  	[sflag:s0] =	ssyncadd.s32 @!p0 s1  }
0x4c: {  	[bflag:$0x3] =	sbarrier.arrive $0xFFFF  }
0x4d: {  	_ =	shalt  }

</sc_bundles>
